<compile_context>
chip_gen: v7x
topology: tpu7x:2x2x1
jax: 0.10.2.dev20260603
libtpu: 0.0.44.dev20260713+nightly
codegen_flags: <defaults>
</compile_context>

<pallas_src>
import jax
import jax.numpy as jnp
from jax import lax
from jax.experimental import pallas as pl
from jax.experimental.pallas import tpu as pltpu
from jax.experimental.pallas import tpu_sc as plsc

B = 16384
F = 26
V = 100000
D = 16

NC = 2
NS = 16
NW = NC * NS

NE = B * F * D
PER_W = NE // NW
CH = 13312
NCH = PER_W // CH


def _sc_body(idx_hbm, tab_hbm, out_hbm,
             idx0_v, idx1_v, idx2_v, idx3_v, buf0_v, buf1_v, buf2_v, buf3_v,
             i0, i1, i2, i3, g0, g1, g2, g3, w0, w1, w2, w3):
    wid = lax.axis_index("s") * NC + lax.axis_index("c")
    base = wid * PER_W

    idx_bufs = [idx0_v, idx1_v, idx2_v, idx3_v]
    word_bufs = [buf0_v, buf1_v, buf2_v, buf3_v]
    isems = [i0, i1, i2, i3]
    gsems = [g0, g1, g2, g3]
    wsems = [w0, w1, w2, w3]

    def stage_idx(c):
        return pltpu.async_copy(
            idx_hbm.at[pl.ds(base + c * CH, CH)], idx_bufs[c % 4],
            isems[c % 4])

    stages = [None] * NCH
    gathers = [None] * NCH
    writes = [None] * NCH

    for k in range(4):
        stages[k] = stage_idx(k)
    for k in range(3):
        stages[k].wait()
        gathers[k] = pltpu.async_copy(
            tab_hbm.at[idx_bufs[k]], word_bufs[k], gsems[k])

    for c in range(NCH):
        gathers[c].wait()
        writes[c] = pltpu.async_copy(
            word_bufs[c % 4], out_hbm.at[pl.ds(base + c * CH, CH)],
            wsems[c % 4])
        if c + 3 < NCH:
            stages[c + 3].wait()
            if c >= 1:
                writes[c - 1].wait()
            gathers[c + 3] = pltpu.async_copy(
                tab_hbm.at[idx_bufs[(c + 3) % 4]], word_bufs[(c + 3) % 4],
                gsems[(c + 3) % 4])
            if c + 4 < NCH:
                stages[c + 4] = stage_idx(c + 4)

    for c in range(NCH - 4, NCH):
        writes[c].wait()


@jax.jit
def _embed(sparse_ids, tables):
    plane = (jnp.arange(F, dtype=jnp.int32)[:, None] * D
             + jnp.arange(D, dtype=jnp.int32)[None, :]) * V
    idx_elem = (sparse_ids[:, :, None] + plane[None]).reshape(NE)
    tab_lin = jnp.transpose(tables, (0, 2, 1)).reshape(F * D * V)
    mesh = plsc.VectorSubcoreMesh(core_axis_name="c", subcore_axis_name="s")
    out = pl.kernel(
        _sc_body,
        out_type=jax.ShapeDtypeStruct((NE,), jnp.float32),
        mesh=mesh,
        scratch_types=(
            [pltpu.VMEM((CH,), jnp.int32)] * 4
            + [pltpu.VMEM((CH,), jnp.float32)] * 4
            + [pltpu.SemaphoreType.DMA] * 12
        ),
        compiler_params=pltpu.CompilerParams(use_tc_tiling_on_sc=False),
    )(idx_elem, tab_lin)
    return out.reshape(B, F * D)


def kernel(sparse_ids, domain_indicator, tables):
    del domain_indicator
    return _embed(sparse_ids, tables)

# --- scband reference (transcript-rebuilt; emitter-appended) ---
"""Pipeline reference for scband-base-89000312308233 (READ-ONLY COPY).

The authoritative reference and input builder live on the scoring server;
editing this copy changes nothing except your own understanding.
"""

import jax, jax.numpy as jnp
import numpy as np

B = 16384
F = 26
V = 100000
D = 16
NUM_DOMAINS = 3


def setup_inputs(seed: int = 0) -> dict:
    key = jax.random.key(seed)
    k1, k2, k3 = jax.random.split(key, 3)
    sparse_ids = jax.random.randint(k1, (B, F), 0, V, dtype=jnp.int32)
    domain_indicator = jax.random.randint(k2, (B,), 0, NUM_DOMAINS, dtype=jnp.int32)
    # One embedding table per sparse field, stacked: [F, V, D]
    tables = jax.random.normal(k3, (F, V, D), dtype=jnp.float32) * 0.01
    return {"sparse_ids": sparse_ids, "domain_indicator": domain_indicator, "tables": tables}


def reference(sparse_ids, domain_indicator, tables):
    # EmbeddingLayer(x, features, squeeze_dim=True):
    # gather per-field embeddings and concat along feature dim -> [B, F*D]
    field_idx = jnp.arange(F, dtype=jnp.int32)[None, :]  # [1, F]
    emb = tables[field_idx, sparse_ids]  # [B, F, D] gather (SparseCore embedding lookup)
    emb = emb.reshape(emb.shape[0], F * D)  # concat of per-field embeddings

    domain_id = domain_indicator
    mask = []
    out = []
    for d in range(NUM_DOMAINS):
        domain_mask = domain_id == d
        mask.append(domain_mask)
        domain_input = emb
        out.append(domain_input)
    final = jnp.zeros_like(out[0])
    for d in range(NUM_DOMAINS):
        final = jnp.where(mask[d][:, None], out[d], final)
    # torch .squeeze(1) is a no-op here since dim 1 has size F*D != 1
    return final

if __name__ == "__main__":
    import jax
    _d = setup_inputs()
    print(jax.jit(kernel)(*tuple(_d.values())))

</pallas_src>

<mosaic_0001>
#map = affine_map<(d0, d1) -> (0)>
module attributes {stable_mosaic.version = 14 : i64} {
  func.func @_sc_body(%arg0: i32, %arg1: i32, %arg2: memref<6815744xi32, #tpu.memory_space<hbm>>, %arg3: memref<41600000xf32, #tpu.memory_space<hbm>>, %arg4: memref<6815744xf32, #tpu.memory_space<hbm>>, %arg5: memref<13312xi32, #tpu.memory_space<vmem>>, %arg6: memref<13312xi32, #tpu.memory_space<vmem>>, %arg7: memref<13312xi32, #tpu.memory_space<vmem>>, %arg8: memref<13312xi32, #tpu.memory_space<vmem>>, %arg9: memref<13312xf32, #tpu.memory_space<vmem>>, %arg10: memref<13312xf32, #tpu.memory_space<vmem>>, %arg11: memref<13312xf32, #tpu.memory_space<vmem>>, %arg12: memref<13312xf32, #tpu.memory_space<vmem>>, %arg13: memref<!tpu.dma_semaphore, #tpu.memory_space<semaphore_mem>>, %arg14: memref<!tpu.dma_semaphore, #tpu.memory_space<semaphore_mem>>, %arg15: memref<!tpu.dma_semaphore, #tpu.memory_space<semaphore_mem>>, %arg16: memref<!tpu.dma_semaphore, #tpu.memory_space<semaphore_mem>>, %arg17: memref<!tpu.dma_semaphore, #tpu.memory_space<semaphore_mem>>, %arg18: memref<!tpu.dma_semaphore, #tpu.memory_space<semaphore_mem>>, %arg19: memref<!tpu.dma_semaphore, #tpu.memory_space<semaphore_mem>>, %arg20: memref<!tpu.dma_semaphore, #tpu.memory_space<semaphore_mem>>, %arg21: memref<!tpu.dma_semaphore, #tpu.memory_space<semaphore_mem>>, %arg22: memref<!tpu.dma_semaphore, #tpu.memory_space<semaphore_mem>>, %arg23: memref<!tpu.dma_semaphore, #tpu.memory_space<semaphore_mem>>, %arg24: memref<!tpu.dma_semaphore, #tpu.memory_space<semaphore_mem>>) attributes {dimension_semantics = [#tpu.dimension_semantics<core_parallel>, #tpu.dimension_semantics<subcore_parallel>], iteration_bounds = array<i64: 2, 16>, scalar_prefetch = 0 : i64, scratch_operands = 20 : i64, tpu.core_type = #tpu.core_type<sc_vector_subcore>, window_params = [{transform_indices = #map}, {transform_indices = #map}, {transform_indices = #map}]} {
    %mul3A = arith.constant 2 : i32
    %mul3A_0 = arith.muli %arg1, %mul3A : i32
    %add3A = arith.addi %mul3A_0, %arg0 : i32
    %mul3A_1 = arith.constant 212992 : i32
    %mul3A_2 = arith.muli %add3A, %mul3A_1 : i32
    %add3A_3 = arith.constant 0 : i32
    %add3A_4 = arith.addi %mul3A_2, %add3A_3 : i32
    %dma_start3A = tpu.memref_slice %arg2[%add3A_4] : memref<6815744xi32, #tpu.memory_space<hbm>> -> memref<13312xi32, #tpu.memory_space<hbm>>
    %dma_start3A_5 = tpu.memref_slice %arg2[%add3A_4] : memref<6815744xi32, #tpu.memory_space<hbm>> -> memref<13312xi32, #tpu.memory_space<hbm>>
    tpu.enqueue_dma source(%dma_start3A_5 : memref<13312xi32, #tpu.memory_space<hbm>>) target(%arg5 : memref<13312xi32, #tpu.memory_space<vmem>>) target_semaphore(%arg13 : memref<!tpu.dma_semaphore, #tpu.memory_space<semaphore_mem>>)
    %add3A_6 = arith.constant 13312 : i32
    %add3A_7 = arith.addi %mul3A_2, %add3A_6 : i32
    %dma_start3A_8 = tpu.memref_slice %arg2[%add3A_7] : memref<6815744xi32, #tpu.memory_space<hbm>> -> memref<13312xi32, #tpu.memory_space<hbm>>
    %dma_start3A_9 = tpu.memref_slice %arg2[%add3A_7] : memref<6815744xi32, #tpu.memory_space<hbm>> -> memref<13312xi32, #tpu.memory_space<hbm>>
    tpu.enqueue_dma source(%dma_start3A_9 : memref<13312xi32, #tpu.memory_space<hbm>>) target(%arg6 : memref<13312xi32, #tpu.memory_space<vmem>>) target_semaphore(%arg14 : memref<!tpu.dma_semaphore, #tpu.memory_space<semaphore_mem>>)
    %add3A_10 = arith.constant 26624 : i32
    %add3A_11 = arith.addi %mul3A_2, %add3A_10 : i32
    %dma_start3A_12 = tpu.memref_slice %arg2[%add3A_11] : memref<6815744xi32, #tpu.memory_space<hbm>> -> memref<13312xi32, #tpu.memory_space<hbm>>
    %dma_start3A_13 = tpu.memref_slice %arg2[%add3A_11] : memref<6815744xi32, #tpu.memory_space<hbm>> -> memref<13312xi32, #tpu.memory_space<hbm>>
    tpu.enqueue_dma source(%dma_start3A_13 : memref<13312xi32, #tpu.memory_space<hbm>>) target(%arg7 : memref<13312xi32, #tpu.memory_space<vmem>>) target_semaphore(%arg15 : memref<!tpu.dma_semaphore, #tpu.memory_space<semaphore_mem>>)
    %add3A_14 = arith.constant 39936 : i32
    %add3A_15 = arith.addi %mul3A_2, %add3A_14 : i32
    %dma_start3A_16 = tpu.memref_slice %arg2[%add3A_15] : memref<6815744xi32, #tpu.memory_space<hbm>> -> memref<13312xi32, #tpu.memory_space<hbm>>
    %dma_start3A_17 = tpu.memref_slice %arg2[%add3A_15] : memref<6815744xi32, #tpu.memory_space<hbm>> -> memref<13312xi32, #tpu.memory_space<hbm>>
    tpu.enqueue_dma source(%dma_start3A_17 : memref<13312xi32, #tpu.memory_space<hbm>>) target(%arg8 : memref<13312xi32, #tpu.memory_space<vmem>>) target_semaphore(%arg16 : memref<!tpu.dma_semaphore, #tpu.memory_space<semaphore_mem>>)
    %dma_wait3A = tpu.memref_slice %arg2[%add3A_4] : memref<6815744xi32, #tpu.memory_space<hbm>> -> memref<13312xi32, #tpu.memory_space<hbm>>
    %dma_wait3A_18 = tpu.memref_slice %arg2[%add3A_4] : memref<6815744xi32, #tpu.memory_space<hbm>> -> memref<13312xi32, #tpu.memory_space<hbm>>
    tpu.wait_dma2 semaphore(%arg13 : memref<!tpu.dma_semaphore, #tpu.memory_space<semaphore_mem>>) src(%dma_wait3A_18 : memref<13312xi32, #tpu.memory_space<hbm>>) dst(%arg5 : memref<13312xi32, #tpu.memory_space<vmem>>)
    %dma_start3A_19 = arith.constant 0 : i32
    %dma_start3A_20 = tpu.memref_slice %arg3[%dma_start3A_19] : memref<41600000xf32, #tpu.memory_space<hbm>> -> memref<41600000xf32, #tpu.memory_space<hbm>>
    tpu.enqueue_indirect_dma source(%dma_start3A_20 : memref<41600000xf32, #tpu.memory_space<hbm>>) target(%arg9 : memref<13312xf32, #tpu.memory_space<vmem>>) offsets(%arg5 : memref<13312xi32, #tpu.memory_space<vmem>>) semaphore(%arg17 : memref<!tpu.dma_semaphore, #tpu.memory_space<semaphore_mem>>)
    %dma_wait3A_21 = tpu.memref_slice %arg2[%add3A_7] : memref<6815744xi32, #tpu.memory_space<hbm>> -> memref<13312xi32, #tpu.memory_space<hbm>>
    %dma_wait3A_22 = tpu.memref_slice %arg2[%add3A_7] : memref<6815744xi32, #tpu.memory_space<hbm>> -> memref<13312xi32, #tpu.memory_space<hbm>>
    tpu.wait_dma2 semaphore(%arg14 : memref<!tpu.dma_semaphore, #tpu.memory_space<semaphore_mem>>) src(%dma_wait3A_22 : memref<13312xi32, #tpu.memory_space<hbm>>) dst(%arg6 : memref<13312xi32, #tpu.memory_space<vmem>>)
    %dma_start3A_23 = arith.constant 0 : i32
    %dma_start3A_24 = tpu.memref_slice %arg3[%dma_start3A_23] : memref<41600000xf32, #tpu.memory_space<hbm>> -> memref<41600000xf32, #tpu.memory_space<hbm>>
    tpu.enqueue_indirect_dma source(%dma_start3A_24 : memref<41600000xf32, #tpu.memory_space<hbm>>) target(%arg10 : memref<13312xf32, #tpu.memory_space<vmem>>) offsets(%arg6 : memref<13312xi32, #tpu.memory_space<vmem>>) semaphore(%arg18 : memref<!tpu.dma_semaphore, #tpu.memory_space<semaphore_mem>>)
    %dma_wait3A_25 = tpu.memref_slice %arg2[%add3A_11] : memref<6815744xi32, #tpu.memory_space<hbm>> -> memref<13312xi32, #tpu.memory_space<hbm>>
    %dma_wait3A_26 = tpu.memref_slice %arg2[%add3A_11] : memref<6815744xi32, #tpu.memory_space<hbm>> -> memref<13312xi32, #tpu.memory_space<hbm>>
    tpu.wait_dma2 semaphore(%arg15 : memref<!tpu.dma_semaphore, #tpu.memory_space<semaphore_mem>>) src(%dma_wait3A_26 : memref<13312xi32, #tpu.memory_space<hbm>>) dst(%arg7 : memref<13312xi32, #tpu.memory_space<vmem>>)
    %dma_start3A_27 = arith.constant 0 : i32
    %dma_start3A_28 = tpu.memref_slice %arg3[%dma_start3A_27] : memref<41600000xf32, #tpu.memory_space<hbm>> -> memref<41600000xf32, #tpu.memory_space<hbm>>
    tpu.enqueue_indirect_dma source(%dma_start3A_28 : memref<41600000xf32, #tpu.memory_space<hbm>>) target(%arg11 : memref<13312xf32, #tpu.memory_space<vmem>>) offsets(%arg7 : memref<13312xi32, #tpu.memory_space<vmem>>) semaphore(%arg19 : memref<!tpu.dma_semaphore, #tpu.memory_space<semaphore_mem>>)
    %dma_wait3A_29 = arith.constant 0 : i32
    %dma_wait3A_30 = tpu.memref_slice %arg3[%dma_wait3A_29] : memref<41600000xf32, #tpu.memory_space<hbm>> -> memref<41600000xf32, #tpu.memory_space<hbm>>
    tpu.wait_indirect_dma semaphore(%arg17 : memref<!tpu.dma_semaphore, #tpu.memory_space<semaphore_mem>>) src(%dma_wait3A_30 : memref<41600000xf32, #tpu.memory_space<hbm>>) dst(%arg9 : memref<13312xf32, #tpu.memory_space<vmem>>)
    %add3A_31 = arith.constant 0 : i32
    %add3A_32 = arith.addi %mul3A_2, %add3A_31 : i32
    %dma_start3A_33 = tpu.memref_slice %arg4[%add3A_32] : memref<6815744xf32, #tpu.memory_space<hbm>> -> memref<13312xf32, #tpu.memory_space<hbm>>
    %dma_start3A_34 = tpu.memref_slice %arg4[%add3A_32] : memref<6815744xf32, #tpu.memory_space<hbm>> -> memref<13312xf32, #tpu.memory_space<hbm>>
    tpu.enqueue_dma source(%arg9 : memref<13312xf32, #tpu.memory_space<vmem>>) target(%dma_start3A_34 : memref<13312xf32, #tpu.memory_space<hbm>>) target_semaphore(%arg21 : memref<!tpu.dma_semaphore, #tpu.memory_space<semaphore_mem>>)
    %dma_wait3A_35 = tpu.memref_slice %arg2[%add3A_15] : memref<6815744xi32, #tpu.memory_space<hbm>> -> memref<13312xi32, #tpu.memory_space<hbm>>
    %dma_wait3A_36 = tpu.memref_slice %arg2[%add3A_15] : memref<6815744xi32, #tpu.memory_space<hbm>> -> memref<13312xi32, #tpu.memory_space<hbm>>
    tpu.wait_dma2 semaphore(%arg16 : memref<!tpu.dma_semaphore, #tpu.memory_space<semaphore_mem>>) src(%dma_wait3A_36 : memref<13312xi32, #tpu.memory_space<hbm>>) dst(%arg8 : memref<13312xi32, #tpu.memory_space<vmem>>)
    %dma_start3A_37 = arith.constant 0 : i32
    %dma_start3A_38 = tpu.memref_slice %arg3[%dma_start3A_37] : memref<41600000xf32, #tpu.memory_space<hbm>> -> memref<41600000xf32, #tpu.memory_space<hbm>>
    tpu.enqueue_indirect_dma source(%dma_start3A_38 : memref<41600000xf32, #tpu.memory_space<hbm>>) target(%arg12 : memref<13312xf32, #tpu.memory_space<vmem>>) offsets(%arg8 : memref<13312xi32, #tpu.memory_space<vmem>>) semaphore(%arg20 : memref<!tpu.dma_semaphore, #tpu.memory_space<semaphore_mem>>)
    %add3A_39 = arith.constant 53248 : i32
    %add3A_40 = arith.addi %mul3A_2, %add3A_39 : i32
    %dma_start3A_41 = tpu.memref_slice %arg2[%add3A_40] : memref<6815744xi32, #tpu.memory_space<hbm>> -> memref<13312xi32, #tpu.memory_space<hbm>>
    %dma_start3A_42 = tpu.memref_slice %arg2[%add3A_40] : memref<6815744xi32, #tpu.memory_space<hbm>> -> memref<13312xi32, #tpu.memory_space<hbm>>
    tpu.enqueue_dma source(%dma_start3A_42 : memref<13312xi32, #tpu.memory_space<hbm>>) target(%arg5 : memref<13312xi32, #tpu.memory_space<vmem>>) target_semaphore(%arg13 : memref<!tpu.dma_semaphore, #tpu.memory_space<semaphore_mem>>)
    %dma_wait3A_43 = arith.constant 0 : i32
    %dma_wait3A_44 = tpu.memref_slice %arg3[%dma_wait3A_43] : memref<41600000xf32, #tpu.memory_space<hbm>> -> memref<41600000xf32, #tpu.memory_space<hbm>>
    tpu.wait_indirect_dma semaphore(%arg18 : memref<!tpu.dma_semaphore, #tpu.memory_space<semaphore_mem>>) src(%dma_wait3A_44 : memref<41600000xf32, #tpu.memory_space<hbm>>) dst(%arg10 : memref<13312xf32, #tpu.memory_space<vmem>>)
    %add3A_45 = arith.constant 13312 : i32
    %add3A_46 = arith.addi %mul3A_2, %add3A_45 : i32
    %dma_start3A_47 = tpu.memref_slice %arg4[%add3A_46] : memref<6815744xf32, #tpu.memory_space<hbm>> -> memref<13312xf32, #tpu.memory_space<hbm>>
    %dma_start3A_48 = tpu.memref_slice %arg4[%add3A_46] : memref<6815744xf32, #tpu.memory_space<hbm>> -> memref<13312xf32, #tpu.memory_space<hbm>>
    tpu.enqueue_dma source(%arg10 : memref<13312xf32, #tpu.memory_space<vmem>>) target(%dma_start3A_48 : memref<13312xf32, #tpu.memory_space<hbm>>) target_semaphore(%arg22 : memref<!tpu.dma_semaphore, #tpu.memory_space<semaphore_mem>>)
    %dma_wait3A_49 = tpu.memref_slice %arg2[%add3A_40] : memref<6815744xi32, #tpu.memory_space<hbm>> -> memref<13312xi32, #tpu.memory_space<hbm>>
    %dma_wait3A_50 = tpu.memref_slice %arg2[%add3A_40] : memref<6815744xi32, #tpu.memory_space<hbm>> -> memref<13312xi32, #tpu.memory_space<hbm>>
    tpu.wait_dma2 semaphore(%arg13 : memref<!tpu.dma_semaphore, #tpu.memory_space<semaphore_mem>>) src(%dma_wait3A_50 : memref<13312xi32, #tpu.memory_space<hbm>>) dst(%arg5 : memref<13312xi32, #tpu.memory_space<vmem>>)
    %dma_wait3A_51 = tpu.memref_slice %arg4[%add3A_32] : memref<6815744xf32, #tpu.memory_space<hbm>> -> memref<13312xf32, #tpu.memory_space<hbm>>
    %dma_wait3A_52 = tpu.memref_slice %arg4[%add3A_32] : memref<6815744xf32, #tpu.memory_space<hbm>> -> memref<13312xf32, #tpu.memory_space<hbm>>
    tpu.wait_dma2 semaphore(%arg21 : memref<!tpu.dma_semaphore, #tpu.memory_space<semaphore_mem>>) src(%arg9 : memref<13312xf32, #tpu.memory_space<vmem>>) dst(%dma_wait3A_52 : memref<13312xf32, #tpu.memory_space<hbm>>)
    %dma_start3A_53 = arith.constant 0 : i32
    %dma_start3A_54 = tpu.memref_slice %arg3[%dma_start3A_53] : memref<41600000xf32, #tpu.memory_space<hbm>> -> memref<41600000xf32, #tpu.memory_space<hbm>>
    tpu.enqueue_indirect_dma source(%dma_start3A_54 : memref<41600000xf32, #tpu.memory_space<hbm>>) target(%arg9 : memref<13312xf32, #tpu.memory_space<vmem>>) offsets(%arg5 : memref<13312xi32, #tpu.memory_space<vmem>>) semaphore(%arg17 : memref<!tpu.dma_semaphore, #tpu.memory_space<semaphore_mem>>)
    %add3A_55 = arith.constant 66560 : i32
    %add3A_56 = arith.addi %mul3A_2, %add3A_55 : i32
    %dma_start3A_57 = tpu.memref_slice %arg2[%add3A_56] : memref<6815744xi32, #tpu.memory_space<hbm>> -> memref<13312xi32, #tpu.memory_space<hbm>>
    %dma_start3A_58 = tpu.memref_slice %arg2[%add3A_56] : memref<6815744xi32, #tpu.memory_space<hbm>> -> memref<13312xi32, #tpu.memory_space<hbm>>
    tpu.enqueue_dma source(%dma_start3A_58 : memref<13312xi32, #tpu.memory_space<hbm>>) target(%arg6 : memref<13312xi32, #tpu.memory_space<vmem>>) target_semaphore(%arg14 : memref<!tpu.dma_semaphore, #tpu.memory_space<semaphore_mem>>)
    %dma_wait3A_59 = arith.constant 0 : i32
    %dma_wait3A_60 = tpu.memref_slice %arg3[%dma_wait3A_59] : memref<41600000xf32, #tpu.memory_space<hbm>> -> memref<41600000xf32, #tpu.memory_space<hbm>>
    tpu.wait_indirect_dma semaphore(%arg19 : memref<!tpu.dma_semaphore, #tpu.memory_space<semaphore_mem>>) src(%dma_wait3A_60 : memref<41600000xf32, #tpu.memory_space<hbm>>) dst(%arg11 : memref<13312xf32, #tpu.memory_space<vmem>>)
    %add3A_61 = arith.constant 26624 : i32
    %add3A_62 = arith.addi %mul3A_2, %add3A_61 : i32
    %dma_start3A_63 = tpu.memref_slice %arg4[%add3A_62] : memref<6815744xf32, #tpu.memory_space<hbm>> -> memref<13312xf32, #tpu.memory_space<hbm>>
    %dma_start3A_64 = tpu.memref_slice %arg4[%add3A_62] : memref<6815744xf32, #tpu.memory_space<hbm>> -> memref<13312xf32, #tpu.memory_space<hbm>>
    tpu.enqueue_dma source(%arg11 : memref<13312xf32, #tpu.memory_space<vmem>>) target(%dma_start3A_64 : memref<13312xf32, #tpu.memory_space<hbm>>) target_semaphore(%arg23 : memref<!tpu.dma_semaphore, #tpu.memory_space<semaphore_mem>>)
    %dma_wait3A_65 = tpu.memref_slice %arg2[%add3A_56] : memref<6815744xi32, #tpu.memory_space<hbm>> -> memref<13312xi32, #tpu.memory_space<hbm>>
    %dma_wait3A_66 = tpu.memref_slice %arg2[%add3A_56] : memref<6815744xi32, #tpu.memory_space<hbm>> -> memref<13312xi32, #tpu.memory_space<hbm>>
    tpu.wait_dma2 semaphore(%arg14 : memref<!tpu.dma_semaphore, #tpu.memory_space<semaphore_mem>>) src(%dma_wait3A_66 : memref<13312xi32, #tpu.memory_space<hbm>>) dst(%arg6 : memref<13312xi32, #tpu.memory_space<vmem>>)
    %dma_wait3A_67 = tpu.memref_slice %arg4[%add3A_46] : memref<6815744xf32, #tpu.memory_space<hbm>> -> memref<13312xf32, #tpu.memory_space<hbm>>
    %dma_wait3A_68 = tpu.memref_slice %arg4[%add3A_46] : memref<6815744xf32, #tpu.memory_space<hbm>> -> memref<13312xf32, #tpu.memory_space<hbm>>
    tpu.wait_dma2 semaphore(%arg22 : memref<!tpu.dma_semaphore, #tpu.memory_space<semaphore_mem>>) src(%arg10 : memref<13312xf32, #tpu.memory_space<vmem>>) dst(%dma_wait3A_68 : memref<13312xf32, #tpu.memory_space<hbm>>)
    %dma_start3A_69 = arith.constant 0 : i32
    %dma_start3A_70 = tpu.memref_slice %arg3[%dma_start3A_69] : memref<41600000xf32, #tpu.memory_space<hbm>> -> memref<41600000xf32, #tpu.memory_space<hbm>>
    tpu.enqueue_indirect_dma source(%dma_start3A_70 : memref<41600000xf32, #tpu.memory_space<hbm>>) target(%arg10 : memref<13312xf32, #tpu.memory_space<vmem>>) offsets(%arg6 : memref<13312xi32, #tpu.memory_space<vmem>>) semaphore(%arg18 : memref<!tpu.dma_semaphore, #tpu.memory_space<semaphore_mem>>)
    %add3A_71 = arith.constant 79872 : i32
    %add3A_72 = arith.addi %mul3A_2, %add3A_71 : i32
    %dma_start3A_73 = tpu.memref_slice %arg2[%add3A_72] : memref<6815744xi32, #tpu.memory_space<hbm>> -> memref<13312xi32, #tpu.memory_space<hbm>>
    %dma_start3A_74 = tpu.memref_slice %arg2[%add3A_72] : memref<6815744xi32, #tpu.memory_space<hbm>> -> memref<13312xi32, #tpu.memory_space<hbm>>
    tpu.enqueue_dma source(%dma_start3A_74 : memref<13312xi32, #tpu.memory_space<hbm>>) target(%arg7 : memref<13312xi32, #tpu.memory_space<vmem>>) target_semaphore(%arg15 : memref<!tpu.dma_semaphore, #tpu.memory_space<semaphore_mem>>)
    %dma_wait3A_75 = arith.constant 0 : i32
    %dma_wait3A_76 = tpu.memref_slice %arg3[%dma_wait3A_75] : memref<41600000xf32, #tpu.memory_space<hbm>> -> memref<41600000xf32, #tpu.memory_space<hbm>>
    tpu.wait_indirect_dma semaphore(%arg20 : memref<!tpu.dma_semaphore, #tpu.memory_space<semaphore_mem>>) src(%dma_wait3A_76 : memref<41600000xf32, #tpu.memory_space<hbm>>) dst(%arg12 : memref<13312xf32, #tpu.memory_space<vmem>>)
    %add3A_77 = arith.constant 39936 : i32
    %add3A_78 = arith.addi %mul3A_2, %add3A_77 : i32
    %dma_start3A_79 = tpu.memref_slice %arg4[%add3A_78] : memref<6815744xf32, #tpu.memory_space<hbm>> -> memref<13312xf32, #tpu.memory_space<hbm>>
    %dma_start3A_80 = tpu.memref_slice %arg4[%add3A_78] : memref<6815744xf32, #tpu.memory_space<hbm>> -> memref<13312xf32, #tpu.memory_space<hbm>>
    tpu.enqueue_dma source(%arg12 : memref<13312xf32, #tpu.memory_space<vmem>>) target(%dma_start3A_80 : memref<13312xf32, #tpu.memory_space<hbm>>) target_semaphore(%arg24 : memref<!tpu.dma_semaphore, #tpu.memory_space<semaphore_mem>>)
    %dma_wait3A_81 = tpu.memref_slice %arg2[%add3A_72] : memref<6815744xi32, #tpu.memory_space<hbm>> -> memref<13312xi32, #tpu.memory_space<hbm>>
    %dma_wait3A_82 = tpu.memref_slice %arg2[%add3A_72] : memref<6815744xi32, #tpu.memory_space<hbm>> -> memref<13312xi32, #tpu.memory_space<hbm>>
    tpu.wait_dma2 semaphore(%arg15 : memref<!tpu.dma_semaphore, #tpu.memory_space<semaphore_mem>>) src(%dma_wait3A_82 : memref<13312xi32, #tpu.memory_space<hbm>>) dst(%arg7 : memref<13312xi32, #tpu.memory_space<vmem>>)
    %dma_wait3A_83 = tpu.memref_slice %arg4[%add3A_62] : memref<6815744xf32, #tpu.memory_space<hbm>> -> memref<13312xf32, #tpu.memory_space<hbm>>
    %dma_wait3A_84 = tpu.memref_slice %arg4[%add3A_62] : memref<6815744xf32, #tpu.memory_space<hbm>> -> memref<13312xf32, #tpu.memory_space<hbm>>
    tpu.wait_dma2 semaphore(%arg23 : memref<!tpu.dma_semaphore, #tpu.memory_space<semaphore_mem>>) src(%arg11 : memref<13312xf32, #tpu.memory_space<vmem>>) dst(%dma_wait3A_84 : memref<13312xf32, #tpu.memory_space<hbm>>)
    %dma_start3A_85 = arith.constant 0 : i32
    %dma_start3A_86 = tpu.memref_slice %arg3[%dma_start3A_85] : memref<41600000xf32, #tpu.memory_space<hbm>> -> memref<41600000xf32, #tpu.memory_space<hbm>>
    tpu.enqueue_indirect_dma source(%dma_start3A_86 : memref<41600000xf32, #tpu.memory_space<hbm>>) target(%arg11 : memref<13312xf32, #tpu.memory_space<vmem>>) offsets(%arg7 : memref<13312xi32, #tpu.memory_space<vmem>>) semaphore(%arg19 : memref<!tpu.dma_semaphore, #tpu.memory_space<semaphore_mem>>)
    %add3A_87 = arith.constant 93184 : i32
    %add3A_88 = arith.addi %mul3A_2, %add3A_87 : i32
    %dma_start3A_89 = tpu.memref_slice %arg2[%add3A_88] : memref<6815744xi32, #tpu.memory_space<hbm>> -> memref<13312xi32, #tpu.memory_space<hbm>>
    %dma_start3A_90 = tpu.memref_slice %arg2[%add3A_88] : memref<6815744xi32, #tpu.memory_space<hbm>> -> memref<13312xi32, #tpu.memory_space<hbm>>
    tpu.enqueue_dma source(%dma_start3A_90 : memref<13312xi32, #tpu.memory_space<hbm>>) target(%arg8 : memref<13312xi32, #tpu.memory_space<vmem>>) target_semaphore(%arg16 : memref<!tpu.dma_semaphore, #tpu.memory_space<semaphore_mem>>)
    %dma_wait3A_91 = arith.constant 0 : i32
    %dma_wait3A_92 = tpu.memref_slice %arg3[%dma_wait3A_91] : memref<41600000xf32, #tpu.memory_space<hbm>> -> memref<41600000xf32, #tpu.memory_space<hbm>>
    tpu.wait_indirect_dma semaphore(%arg17 : memref<!tpu.dma_semaphore, #tpu.memory_space<semaphore_mem>>) src(%dma_wait3A_92 : memref<41600000xf32, #tpu.memory_space<hbm>>) dst(%arg9 : memref<13312xf32, #tpu.memory_space<vmem>>)
    %add3A_93 = arith.constant 53248 : i32
    %add3A_94 = arith.addi %mul3A_2, %add3A_93 : i32
    %dma_start3A_95 = tpu.memref_slice %arg4[%add3A_94] : memref<6815744xf32, #tpu.memory_space<hbm>> -> memref<13312xf32, #tpu.memory_space<hbm>>
    %dma_start3A_96 = tpu.memref_slice %arg4[%add3A_94] : memref<6815744xf32, #tpu.memory_space<hbm>> -> memref<13312xf32, #tpu.memory_space<hbm>>
    tpu.enqueue_dma source(%arg9 : memref<13312xf32, #tpu.memory_space<vmem>>) target(%dma_start3A_96 : memref<13312xf32, #tpu.memory_space<hbm>>) target_semaphore(%arg21 : memref<!tpu.dma_semaphore, #tpu.memory_space<semaphore_mem>>)
    %dma_wait3A_97 = tpu.memref_slice %arg2[%add3A_88] : memref<6815744xi32, #tpu.memory_space<hbm>> -> memref<13312xi32, #tpu.memory_space<hbm>>
    %dma_wait3A_98 = tpu.memref_slice %arg2[%add3A_88] : memref<6815744xi32, #tpu.memory_space<hbm>> -> memref<13312xi32, #tpu.memory_space<hbm>>
    tpu.wait_dma2 semaphore(%arg16 : memref<!tpu.dma_semaphore, #tpu.memory_space<semaphore_mem>>) src(%dma_wait3A_98 : memref<13312xi32, #tpu.memory_space<hbm>>) dst(%arg8 : memref<13312xi32, #tpu.memory_space<vmem>>)
    %dma_wait3A_99 = tpu.memref_slice %arg4[%add3A_78] : memref<6815744xf32, #tpu.memory_space<hbm>> -> memref<13312xf32, #tpu.memory_space<hbm>>
    %dma_wait3A_100 = tpu.memref_slice %arg4[%add3A_78] : memref<6815744xf32, #tpu.memory_space<hbm>> -> memref<13312xf32, #tpu.memory_space<hbm>>
    tpu.wait_dma2 semaphore(%arg24 : memref<!tpu.dma_semaphore, #tpu.memory_space<semaphore_mem>>) src(%arg12 : memref<13312xf32, #tpu.memory_space<vmem>>) dst(%dma_wait3A_100 : memref<13312xf32, #tpu.memory_space<hbm>>)
    %dma_start3A_101 = arith.constant 0 : i32
    %dma_start3A_102 = tpu.memref_slice %arg3[%dma_start3A_101] : memref<41600000xf32, #tpu.memory_space<hbm>> -> memref<41600000xf32, #tpu.memory_space<hbm>>
    tpu.enqueue_indirect_dma source(%dma_start3A_102 : memref<41600000xf32, #tpu.memory_space<hbm>>) target(%arg12 : memref<13312xf32, #tpu.memory_space<vmem>>) offsets(%arg8 : memref<13312xi32, #tpu.memory_space<vmem>>) semaphore(%arg20 : memref<!tpu.dma_semaphore, #tpu.memory_space<semaphore_mem>>)
    %add3A_103 = arith.constant 106496 : i32
    %add3A_104 = arith.addi %mul3A_2, %add3A_103 : i32
    %dma_start3A_105 = tpu.memref_slice %arg2[%add3A_104] : memref<6815744xi32, #tpu.memory_space<hbm>> -> memref<13312xi32, #tpu.memory_space<hbm>>
    %dma_start3A_106 = tpu.memref_slice %arg2[%add3A_104] : memref<6815744xi32, #tpu.memory_space<hbm>> -> memref<13312xi32, #tpu.memory_space<hbm>>
    tpu.enqueue_dma source(%dma_start3A_106 : memref<13312xi32, #tpu.memory_space<hbm>>) target(%arg5 : memref<13312xi32, #tpu.memory_space<vmem>>) target_semaphore(%arg13 : memref<!tpu.dma_semaphore, #tpu.memory_space<semaphore_mem>>)
    %dma_wait3A_107 = arith.constant 0 : i32
    %dma_wait3A_108 = tpu.memref_slice %arg3[%dma_wait3A_107] : memref<41600000xf32, #tpu.memory_space<hbm>> -> memref<41600000xf32, #tpu.memory_space<hbm>>
    tpu.wait_indirect_dma semaphore(%arg18 : memref<!tpu.dma_semaphore, #tpu.memory_space<semaphore_mem>>) src(%dma_wait3A_108 : memref<41600000xf32, #tpu.memory_space<hbm>>) dst(%arg10 : memref<13312xf32, #tpu.memory_space<vmem>>)
    %add3A_109 = arith.constant 66560 : i32
    %add3A_110 = arith.addi %mul3A_2, %add3A_109 : i32
    %dma_start3A_111 = tpu.memref_slice %arg4[%add3A_110] : memref<6815744xf32, #tpu.memory_space<hbm>> -> memref<13312xf32, #tpu.memory_space<hbm>>
    %dma_start3A_112 = tpu.memref_slice %arg4[%add3A_110] : memref<6815744xf32, #tpu.memory_space<hbm>> -> memref<13312xf32, #tpu.memory_space<hbm>>
    tpu.enqueue_dma source(%arg10 : memref<13312xf32, #tpu.memory_space<vmem>>) target(%dma_start3A_112 : memref<13312xf32, #tpu.memory_space<hbm>>) target_semaphore(%arg22 : memref<!tpu.dma_semaphore, #tpu.memory_space<semaphore_mem>>)
    %dma_wait3A_113 = tpu.memref_slice %arg2[%add3A_104] : memref<6815744xi32, #tpu.memory_space<hbm>> -> memref<13312xi32, #tpu.memory_space<hbm>>
    %dma_wait3A_114 = tpu.memref_slice %arg2[%add3A_104] : memref<6815744xi32, #tpu.memory_space<hbm>> -> memref<13312xi32, #tpu.memory_space<hbm>>
    tpu.wait_dma2 semaphore(%arg13 : memref<!tpu.dma_semaphore, #tpu.memory_space<semaphore_mem>>) src(%dma_wait3A_114 : memref<13312xi32, #tpu.memory_space<hbm>>) dst(%arg5 : memref<13312xi32, #tpu.memory_space<vmem>>)
    %dma_wait3A_115 = tpu.memref_slice %arg4[%add3A_94] : memref<6815744xf32, #tpu.memory_space<hbm>> -> memref<13312xf32, #tpu.memory_space<hbm>>
    %dma_wait3A_116 = tpu.memref_slice %arg4[%add3A_94] : memref<6815744xf32, #tpu.memory_space<hbm>> -> memref<13312xf32, #tpu.memory_space<hbm>>
    tpu.wait_dma2 semaphore(%arg21 : memref<!tpu.dma_semaphore, #tpu.memory_space<semaphore_mem>>) src(%arg9 : memref<13312xf32, #tpu.memory_space<vmem>>) dst(%dma_wait3A_116 : memref<13312xf32, #tpu.memory_space<hbm>>)
    %dma_start3A_117 = arith.constant 0 : i32
    %dma_start3A_118 = tpu.memref_slice %arg3[%dma_start3A_117] : memref<41600000xf32, #tpu.memory_space<hbm>> -> memref<41600000xf32, #tpu.memory_space<hbm>>
    tpu.enqueue_indirect_dma source(%dma_start3A_118 : memref<41600000xf32, #tpu.memory_space<hbm>>) target(%arg9 : memref<13312xf32, #tpu.memory_space<vmem>>) offsets(%arg5 : memref<13312xi32, #tpu.memory_space<vmem>>) semaphore(%arg17 : memref<!tpu.dma_semaphore, #tpu.memory_space<semaphore_mem>>)
    %add3A_119 = arith.constant 119808 : i32
    %add3A_120 = arith.addi %mul3A_2, %add3A_119 : i32
    %dma_start3A_121 = tpu.memref_slice %arg2[%add3A_120] : memref<6815744xi32, #tpu.memory_space<hbm>> -> memref<13312xi32, #tpu.memory_space<hbm>>
    %dma_start3A_122 = tpu.memref_slice %arg2[%add3A_120] : memref<6815744xi32, #tpu.memory_space<hbm>> -> memref<13312xi32, #tpu.memory_space<hbm>>
    tpu.enqueue_dma source(%dma_start3A_122 : memref<13312xi32, #tpu.memory_space<hbm>>) target(%arg6 : memref<13312xi32, #tpu.memory_space<vmem>>) target_semaphore(%arg14 : memref<!tpu.dma_semaphore, #tpu.memory_space<semaphore_mem>>)
    %dma_wait3A_123 = arith.constant 0 : i32
    %dma_wait3A_124 = tpu.memref_slice %arg3[%dma_wait3A_123] : memref<41600000xf32, #tpu.memory_space<hbm>> -> memref<41600000xf32, #tpu.memory_space<hbm>>
    tpu.wait_indirect_dma semaphore(%arg19 : memref<!tpu.dma_semaphore, #tpu.memory_space<semaphore_mem>>) src(%dma_wait3A_124 : memref<41600000xf32, #tpu.memory_space<hbm>>) dst(%arg11 : memref<13312xf32, #tpu.memory_space<vmem>>)
    %add3A_125 = arith.constant 79872 : i32
    %add3A_126 = arith.addi %mul3A_2, %add3A_125 : i32
    %dma_start3A_127 = tpu.memref_slice %arg4[%add3A_126] : memref<6815744xf32, #tpu.memory_space<hbm>> -> memref<13312xf32, #tpu.memory_space<hbm>>
    %dma_start3A_128 = tpu.memref_slice %arg4[%add3A_126] : memref<6815744xf32, #tpu.memory_space<hbm>> -> memref<13312xf32, #tpu.memory_space<hbm>>
    tpu.enqueue_dma source(%arg11 : memref<13312xf32, #tpu.memory_space<vmem>>) target(%dma_start3A_128 : memref<13312xf32, #tpu.memory_space<hbm>>) target_semaphore(%arg23 : memref<!tpu.dma_semaphore, #tpu.memory_space<semaphore_mem>>)
    %dma_wait3A_129 = tpu.memref_slice %arg2[%add3A_120] : memref<6815744xi32, #tpu.memory_space<hbm>> -> memref<13312xi32, #tpu.memory_space<hbm>>
    %dma_wait3A_130 = tpu.memref_slice %arg2[%add3A_120] : memref<6815744xi32, #tpu.memory_space<hbm>> -> memref<13312xi32, #tpu.memory_space<hbm>>
    tpu.wait_dma2 semaphore(%arg14 : memref<!tpu.dma_semaphore, #tpu.memory_space<semaphore_mem>>) src(%dma_wait3A_130 : memref<13312xi32, #tpu.memory_space<hbm>>) dst(%arg6 : memref<13312xi32, #tpu.memory_space<vmem>>)
    %dma_wait3A_131 = tpu.memref_slice %arg4[%add3A_110] : memref<6815744xf32, #tpu.memory_space<hbm>> -> memref<13312xf32, #tpu.memory_space<hbm>>
    %dma_wait3A_132 = tpu.memref_slice %arg4[%add3A_110] : memref<6815744xf32, #tpu.memory_space<hbm>> -> memref<13312xf32, #tpu.memory_space<hbm>>
    tpu.wait_dma2 semaphore(%arg22 : memref<!tpu.dma_semaphore, #tpu.memory_space<semaphore_mem>>) src(%arg10 : memref<13312xf32, #tpu.memory_space<vmem>>) dst(%dma_wait3A_132 : memref<13312xf32, #tpu.memory_space<hbm>>)
    %dma_start3A_133 = arith.constant 0 : i32
    %dma_start3A_134 = tpu.memref_slice %arg3[%dma_start3A_133] : memref<41600000xf32, #tpu.memory_space<hbm>> -> memref<41600000xf32, #tpu.memory_space<hbm>>
    tpu.enqueue_indirect_dma source(%dma_start3A_134 : memref<41600000xf32, #tpu.memory_space<hbm>>) target(%arg10 : memref<13312xf32, #tpu.memory_space<vmem>>) offsets(%arg6 : memref<13312xi32, #tpu.memory_space<vmem>>) semaphore(%arg18 : memref<!tpu.dma_semaphore, #tpu.memory_space<semaphore_mem>>)
    %add3A_135 = arith.constant 133120 : i32
    %add3A_136 = arith.addi %mul3A_2, %add3A_135 : i32
    %dma_start3A_137 = tpu.memref_slice %arg2[%add3A_136] : memref<6815744xi32, #tpu.memory_space<hbm>> -> memref<13312xi32, #tpu.memory_space<hbm>>
    %dma_start3A_138 = tpu.memref_slice %arg2[%add3A_136] : memref<6815744xi32, #tpu.memory_space<hbm>> -> memref<13312xi32, #tpu.memory_space<hbm>>
    tpu.enqueue_dma source(%dma_start3A_138 : memref<13312xi32, #tpu.memory_space<hbm>>) target(%arg7 : memref<13312xi32, #tpu.memory_space<vmem>>) target_semaphore(%arg15 : memref<!tpu.dma_semaphore, #tpu.memory_space<semaphore_mem>>)
    %dma_wait3A_139 = arith.constant 0 : i32
    %dma_wait3A_140 = tpu.memref_slice %arg3[%dma_wait3A_139] : memref<41600000xf32, #tpu.memory_space<hbm>> -> memref<41600000xf32, #tpu.memory_space<hbm>>
    tpu.wait_indirect_dma semaphore(%arg20 : memref<!tpu.dma_semaphore, #tpu.memory_space<semaphore_mem>>) src(%dma_wait3A_140 : memref<41600000xf32, #tpu.memory_space<hbm>>) dst(%arg12 : memref<13312xf32, #tpu.memory_space<vmem>>)
    %add3A_141 = arith.constant 93184 : i32
    %add3A_142 = arith.addi %mul3A_2, %add3A_141 : i32
    %dma_start3A_143 = tpu.memref_slice %arg4[%add3A_142] : memref<6815744xf32, #tpu.memory_space<hbm>> -> memref<13312xf32, #tpu.memory_space<hbm>>
    %dma_start3A_144 = tpu.memref_slice %arg4[%add3A_142] : memref<6815744xf32, #tpu.memory_space<hbm>> -> memref<13312xf32, #tpu.memory_space<hbm>>
    tpu.enqueue_dma source(%arg12 : memref<13312xf32, #tpu.memory_space<vmem>>) target(%dma_start3A_144 : memref<13312xf32, #tpu.memory_space<hbm>>) target_semaphore(%arg24 : memref<!tpu.dma_semaphore, #tpu.memory_space<semaphore_mem>>)
    %dma_wait3A_145 = tpu.memref_slice %arg2[%add3A_136] : memref<6815744xi32, #tpu.memory_space<hbm>> -> memref<13312xi32, #tpu.memory_space<hbm>>
    %dma_wait3A_146 = tpu.memref_slice %arg2[%add3A_136] : memref<6815744xi32, #tpu.memory_space<hbm>> -> memref<13312xi32, #tpu.memory_space<hbm>>
    tpu.wait_dma2 semaphore(%arg15 : memref<!tpu.dma_semaphore, #tpu.memory_space<semaphore_mem>>) src(%dma_wait3A_146 : memref<13312xi32, #tpu.memory_space<hbm>>) dst(%arg7 : memref<13312xi32, #tpu.memory_space<vmem>>)
    %dma_wait3A_147 = tpu.memref_slice %arg4[%add3A_126] : memref<6815744xf32, #tpu.memory_space<hbm>> -> memref<13312xf32, #tpu.memory_space<hbm>>
    %dma_wait3A_148 = tpu.memref_slice %arg4[%add3A_126] : memref<6815744xf32, #tpu.memory_space<hbm>> -> memref<13312xf32, #tpu.memory_space<hbm>>
    tpu.wait_dma2 semaphore(%arg23 : memref<!tpu.dma_semaphore, #tpu.memory_space<semaphore_mem>>) src(%arg11 : memref<13312xf32, #tpu.memory_space<vmem>>) dst(%dma_wait3A_148 : memref<13312xf32, #tpu.memory_space<hbm>>)
    %dma_start3A_149 = arith.constant 0 : i32
    %dma_start3A_150 = tpu.memref_slice %arg3[%dma_start3A_149] : memref<41600000xf32, #tpu.memory_space<hbm>> -> memref<41600000xf32, #tpu.memory_space<hbm>>
    tpu.enqueue_indirect_dma source(%dma_start3A_150 : memref<41600000xf32, #tpu.memory_space<hbm>>) target(%arg11 : memref<13312xf32, #tpu.memory_space<vmem>>) offsets(%arg7 : memref<13312xi32, #tpu.memory_space<vmem>>) semaphore(%arg19 : memref<!tpu.dma_semaphore, #tpu.memory_space<semaphore_mem>>)
    %add3A_151 = arith.constant 146432 : i32
    %add3A_152 = arith.addi %mul3A_2, %add3A_151 : i32
    %dma_start3A_153 = tpu.memref_slice %arg2[%add3A_152] : memref<6815744xi32, #tpu.memory_space<hbm>> -> memref<13312xi32, #tpu.memory_space<hbm>>
    %dma_start3A_154 = tpu.memref_slice %arg2[%add3A_152] : memref<6815744xi32, #tpu.memory_space<hbm>> -> memref<13312xi32, #tpu.memory_space<hbm>>
    tpu.enqueue_dma source(%dma_start3A_154 : memref<13312xi32, #tpu.memory_space<hbm>>) target(%arg8 : memref<13312xi32, #tpu.memory_space<vmem>>) target_semaphore(%arg16 : memref<!tpu.dma_semaphore, #tpu.memory_space<semaphore_mem>>)
    %dma_wait3A_155 = arith.constant 0 : i32
    %dma_wait3A_156 = tpu.memref_slice %arg3[%dma_wait3A_155] : memref<41600000xf32, #tpu.memory_space<hbm>> -> memref<41600000xf32, #tpu.memory_space<hbm>>
    tpu.wait_indirect_dma semaphore(%arg17 : memref<!tpu.dma_semaphore, #tpu.memory_space<semaphore_mem>>) src(%dma_wait3A_156 : memref<41600000xf32, #tpu.memory_space<hbm>>) dst(%arg9 : memref<13312xf32, #tpu.memory_space<vmem>>)
    %add3A_157 = arith.constant 106496 : i32
    %add3A_158 = arith.addi %mul3A_2, %add3A_157 : i32
    %dma_start3A_159 = tpu.memref_slice %arg4[%add3A_158] : memref<6815744xf32, #tpu.memory_space<hbm>> -> memref<13312xf32, #tpu.memory_space<hbm>>
    %dma_start3A_160 = tpu.memref_slice %arg4[%add3A_158] : memref<6815744xf32, #tpu.memory_space<hbm>> -> memref<13312xf32, #tpu.memory_space<hbm>>
    tpu.enqueue_dma source(%arg9 : memref<13312xf32, #tpu.memory_space<vmem>>) target(%dma_start3A_160 : memref<13312xf32, #tpu.memory_space<hbm>>) target_semaphore(%arg21 : memref<!tpu.dma_semaphore, #tpu.memory_space<semaphore_mem>>)
    %dma_wait3A_161 = tpu.memref_slice %arg2[%add3A_152] : memref<6815744xi32, #tpu.memory_space<hbm>> -> memref<13312xi32, #tpu.memory_space<hbm>>
    %dma_wait3A_162 = tpu.memref_slice %arg2[%add3A_152] : memref<6815744xi32, #tpu.memory_space<hbm>> -> memref<13312xi32, #tpu.memory_space<hbm>>
    tpu.wait_dma2 semaphore(%arg16 : memref<!tpu.dma_semaphore, #tpu.memory_space<semaphore_mem>>) src(%dma_wait3A_162 : memref<13312xi32, #tpu.memory_space<hbm>>) dst(%arg8 : memref<13312xi32, #tpu.memory_space<vmem>>)
    %dma_wait3A_163 = tpu.memref_slice %arg4[%add3A_142] : memref<6815744xf32, #tpu.memory_space<hbm>> -> memref<13312xf32, #tpu.memory_space<hbm>>
    %dma_wait3A_164 = tpu.memref_slice %arg4[%add3A_142] : memref<6815744xf32, #tpu.memory_space<hbm>> -> memref<13312xf32, #tpu.memory_space<hbm>>
    tpu.wait_dma2 semaphore(%arg24 : memref<!tpu.dma_semaphore, #tpu.memory_space<semaphore_mem>>) src(%arg12 : memref<13312xf32, #tpu.memory_space<vmem>>) dst(%dma_wait3A_164 : memref<13312xf32, #tpu.memory_space<hbm>>)
    %dma_start3A_165 = arith.constant 0 : i32
    %dma_start3A_166 = tpu.memref_slice %arg3[%dma_start3A_165] : memref<41600000xf32, #tpu.memory_space<hbm>> -> memref<41600000xf32, #tpu.memory_space<hbm>>
    tpu.enqueue_indirect_dma source(%dma_start3A_166 : memref<41600000xf32, #tpu.memory_space<hbm>>) target(%arg12 : memref<13312xf32, #tpu.memory_space<vmem>>) offsets(%arg8 : memref<13312xi32, #tpu.memory_space<vmem>>) semaphore(%arg20 : memref<!tpu.dma_semaphore, #tpu.memory_space<semaphore_mem>>)
    %add3A_167 = arith.constant 159744 : i32
    %add3A_168 = arith.addi %mul3A_2, %add3A_167 : i32
    %dma_start3A_169 = tpu.memref_slice %arg2[%add3A_168] : memref<6815744xi32, #tpu.memory_space<hbm>> -> memref<13312xi32, #tpu.memory_space<hbm>>
    %dma_start3A_170 = tpu.memref_slice %arg2[%add3A_168] : memref<6815744xi32, #tpu.memory_space<hbm>> -> memref<13312xi32, #tpu.memory_space<hbm>>
    tpu.enqueue_dma source(%dma_start3A_170 : memref<13312xi32, #tpu.memory_space<hbm>>) target(%arg5 : memref<13312xi32, #tpu.memory_space<vmem>>) target_semaphore(%arg13 : memref<!tpu.dma_semaphore, #tpu.memory_space<semaphore_mem>>)
    %dma_wait3A_171 = arith.constant 0 : i32
    %dma_wait3A_172 = tpu.memref_slice %arg3[%dma_wait3A_171] : memref<41600000xf32, #tpu.memory_space<hbm>> -> memref<41600000xf32, #tpu.memory_space<hbm>>
    tpu.wait_indirect_dma semaphore(%arg18 : memref<!tpu.dma_semaphore, #tpu.memory_space<semaphore_mem>>) src(%dma_wait3A_172 : memref<41600000xf32, #tpu.memory_space<hbm>>) dst(%arg10 : memref<13312xf32, #tpu.memory_space<vmem>>)
    %add3A_173 = arith.constant 119808 : i32
    %add3A_174 = arith.addi %mul3A_2, %add3A_173 : i32
    %dma_start3A_175 = tpu.memref_slice %arg4[%add3A_174] : memref<6815744xf32, #tpu.memory_space<hbm>> -> memref<13312xf32, #tpu.memory_space<hbm>>
    %dma_start3A_176 = tpu.memref_slice %arg4[%add3A_174] : memref<6815744xf32, #tpu.memory_space<hbm>> -> memref<13312xf32, #tpu.memory_space<hbm>>
    tpu.enqueue_dma source(%arg10 : memref<13312xf32, #tpu.memory_space<vmem>>) target(%dma_start3A_176 : memref<13312xf32, #tpu.memory_space<hbm>>) target_semaphore(%arg22 : memref<!tpu.dma_semaphore, #tpu.memory_space<semaphore_mem>>)
    %dma_wait3A_177 = tpu.memref_slice %arg2[%add3A_168] : memref<6815744xi32, #tpu.memory_space<hbm>> -> memref<13312xi32, #tpu.memory_space<hbm>>
    %dma_wait3A_178 = tpu.memref_slice %arg2[%add3A_168] : memref<6815744xi32, #tpu.memory_space<hbm>> -> memref<13312xi32, #tpu.memory_space<hbm>>
    tpu.wait_dma2 semaphore(%arg13 : memref<!tpu.dma_semaphore, #tpu.memory_space<semaphore_mem>>) src(%dma_wait3A_178 : memref<13312xi32, #tpu.memory_space<hbm>>) dst(%arg5 : memref<13312xi32, #tpu.memory_space<vmem>>)
    %dma_wait3A_179 = tpu.memref_slice %arg4[%add3A_158] : memref<6815744xf32, #tpu.memory_space<hbm>> -> memref<13312xf32, #tpu.memory_space<hbm>>
    %dma_wait3A_180 = tpu.memref_slice %arg4[%add3A_158] : memref<6815744xf32, #tpu.memory_space<hbm>> -> memref<13312xf32, #tpu.memory_space<hbm>>
    tpu.wait_dma2 semaphore(%arg21 : memref<!tpu.dma_semaphore, #tpu.memory_space<semaphore_mem>>) src(%arg9 : memref<13312xf32, #tpu.memory_space<vmem>>) dst(%dma_wait3A_180 : memref<13312xf32, #tpu.memory_space<hbm>>)
    %dma_start3A_181 = arith.constant 0 : i32
    %dma_start3A_182 = tpu.memref_slice %arg3[%dma_start3A_181] : memref<41600000xf32, #tpu.memory_space<hbm>> -> memref<41600000xf32, #tpu.memory_space<hbm>>
    tpu.enqueue_indirect_dma source(%dma_start3A_182 : memref<41600000xf32, #tpu.memory_space<hbm>>) target(%arg9 : memref<13312xf32, #tpu.memory_space<vmem>>) offsets(%arg5 : memref<13312xi32, #tpu.memory_space<vmem>>) semaphore(%arg17 : memref<!tpu.dma_semaphore, #tpu.memory_space<semaphore_mem>>)
    %add3A_183 = arith.constant 173056 : i32
    %add3A_184 = arith.addi %mul3A_2, %add3A_183 : i32
    %dma_start3A_185 = tpu.memref_slice %arg2[%add3A_184] : memref<6815744xi32, #tpu.memory_space<hbm>> -> memref<13312xi32, #tpu.memory_space<hbm>>
    %dma_start3A_186 = tpu.memref_slice %arg2[%add3A_184] : memref<6815744xi32, #tpu.memory_space<hbm>> -> memref<13312xi32, #tpu.memory_space<hbm>>
    tpu.enqueue_dma source(%dma_start3A_186 : memref<13312xi32, #tpu.memory_space<hbm>>) target(%arg6 : memref<13312xi32, #tpu.memory_space<vmem>>) target_semaphore(%arg14 : memref<!tpu.dma_semaphore, #tpu.memory_space<semaphore_mem>>)
    %dma_wait3A_187 = arith.constant 0 : i32
    %dma_wait3A_188 = tpu.memref_slice %arg3[%dma_wait3A_187] : memref<41600000xf32, #tpu.memory_space<hbm>> -> memref<41600000xf32, #tpu.memory_space<hbm>>
    tpu.wait_indirect_dma semaphore(%arg19 : memref<!tpu.dma_semaphore, #tpu.memory_space<semaphore_mem>>) src(%dma_wait3A_188 : memref<41600000xf32, #tpu.memory_space<hbm>>) dst(%arg11 : memref<13312xf32, #tpu.memory_space<vmem>>)
    %add3A_189 = arith.constant 133120 : i32
    %add3A_190 = arith.addi %mul3A_2, %add3A_189 : i32
    %dma_start3A_191 = tpu.memref_slice %arg4[%add3A_190] : memref<6815744xf32, #tpu.memory_space<hbm>> -> memref<13312xf32, #tpu.memory_space<hbm>>
    %dma_start3A_192 = tpu.memref_slice %arg4[%add3A_190] : memref<6815744xf32, #tpu.memory_space<hbm>> -> memref<13312xf32, #tpu.memory_space<hbm>>
    tpu.enqueue_dma source(%arg11 : memref<13312xf32, #tpu.memory_space<vmem>>) target(%dma_start3A_192 : memref<13312xf32, #tpu.memory_space<hbm>>) target_semaphore(%arg23 : memref<!tpu.dma_semaphore, #tpu.memory_space<semaphore_mem>>)
    %dma_wait3A_193 = tpu.memref_slice %arg2[%add3A_184] : memref<6815744xi32, #tpu.memory_space<hbm>> -> memref<13312xi32, #tpu.memory_space<hbm>>
    %dma_wait3A_194 = tpu.memref_slice %arg2[%add3A_184] : memref<6815744xi32, #tpu.memory_space<hbm>> -> memref<13312xi32, #tpu.memory_space<hbm>>
    tpu.wait_dma2 semaphore(%arg14 : memref<!tpu.dma_semaphore, #tpu.memory_space<semaphore_mem>>) src(%dma_wait3A_194 : memref<13312xi32, #tpu.memory_space<hbm>>) dst(%arg6 : memref<13312xi32, #tpu.memory_space<vmem>>)
    %dma_wait3A_195 = tpu.memref_slice %arg4[%add3A_174] : memref<6815744xf32, #tpu.memory_space<hbm>> -> memref<13312xf32, #tpu.memory_space<hbm>>
    %dma_wait3A_196 = tpu.memref_slice %arg4[%add3A_174] : memref<6815744xf32, #tpu.memory_space<hbm>> -> memref<13312xf32, #tpu.memory_space<hbm>>
    tpu.wait_dma2 semaphore(%arg22 : memref<!tpu.dma_semaphore, #tpu.memory_space<semaphore_mem>>) src(%arg10 : memref<13312xf32, #tpu.memory_space<vmem>>) dst(%dma_wait3A_196 : memref<13312xf32, #tpu.memory_space<hbm>>)
    %dma_start3A_197 = arith.constant 0 : i32
    %dma_start3A_198 = tpu.memref_slice %arg3[%dma_start3A_197] : memref<41600000xf32, #tpu.memory_space<hbm>> -> memref<41600000xf32, #tpu.memory_space<hbm>>
    tpu.enqueue_indirect_dma source(%dma_start3A_198 : memref<41600000xf32, #tpu.memory_space<hbm>>) target(%arg10 : memref<13312xf32, #tpu.memory_space<vmem>>) offsets(%arg6 : memref<13312xi32, #tpu.memory_space<vmem>>) semaphore(%arg18 : memref<!tpu.dma_semaphore, #tpu.memory_space<semaphore_mem>>)
    %add3A_199 = arith.constant 186368 : i32
    %add3A_200 = arith.addi %mul3A_2, %add3A_199 : i32
    %dma_start3A_201 = tpu.memref_slice %arg2[%add3A_200] : memref<6815744xi32, #tpu.memory_space<hbm>> -> memref<13312xi32, #tpu.memory_space<hbm>>
    %dma_start3A_202 = tpu.memref_slice %arg2[%add3A_200] : memref<6815744xi32, #tpu.memory_space<hbm>> -> memref<13312xi32, #tpu.memory_space<hbm>>
    tpu.enqueue_dma source(%dma_start3A_202 : memref<13312xi32, #tpu.memory_space<hbm>>) target(%arg7 : memref<13312xi32, #tpu.memory_space<vmem>>) target_semaphore(%arg15 : memref<!tpu.dma_semaphore, #tpu.memory_space<semaphore_mem>>)
    %dma_wait3A_203 = arith.constant 0 : i32
    %dma_wait3A_204 = tpu.memref_slice %arg3[%dma_wait3A_203] : memref<41600000xf32, #tpu.memory_space<hbm>> -> memref<41600000xf32, #tpu.memory_space<hbm>>
    tpu.wait_indirect_dma semaphore(%arg20 : memref<!tpu.dma_semaphore, #tpu.memory_space<semaphore_mem>>) src(%dma_wait3A_204 : memref<41600000xf32, #tpu.memory_space<hbm>>) dst(%arg12 : memref<13312xf32, #tpu.memory_space<vmem>>)
    %add3A_205 = arith.constant 146432 : i32
    %add3A_206 = arith.addi %mul3A_2, %add3A_205 : i32
    %dma_start3A_207 = tpu.memref_slice %arg4[%add3A_206] : memref<6815744xf32, #tpu.memory_space<hbm>> -> memref<13312xf32, #tpu.memory_space<hbm>>
    %dma_start3A_208 = tpu.memref_slice %arg4[%add3A_206] : memref<6815744xf32, #tpu.memory_space<hbm>> -> memref<13312xf32, #tpu.memory_space<hbm>>
    tpu.enqueue_dma source(%arg12 : memref<13312xf32, #tpu.memory_space<vmem>>) target(%dma_start3A_208 : memref<13312xf32, #tpu.memory_space<hbm>>) target_semaphore(%arg24 : memref<!tpu.dma_semaphore, #tpu.memory_space<semaphore_mem>>)
    %dma_wait3A_209 = tpu.memref_slice %arg2[%add3A_200] : memref<6815744xi32, #tpu.memory_space<hbm>> -> memref<13312xi32, #tpu.memory_space<hbm>>
    %dma_wait3A_210 = tpu.memref_slice %arg2[%add3A_200] : memref<6815744xi32, #tpu.memory_space<hbm>> -> memref<13312xi32, #tpu.memory_space<hbm>>
    tpu.wait_dma2 semaphore(%arg15 : memref<!tpu.dma_semaphore, #tpu.memory_space<semaphore_mem>>) src(%dma_wait3A_210 : memref<13312xi32, #tpu.memory_space<hbm>>) dst(%arg7 : memref<13312xi32, #tpu.memory_space<vmem>>)
    %dma_wait3A_211 = tpu.memref_slice %arg4[%add3A_190] : memref<6815744xf32, #tpu.memory_space<hbm>> -> memref<13312xf32, #tpu.memory_space<hbm>>
    %dma_wait3A_212 = tpu.memref_slice %arg4[%add3A_190] : memref<6815744xf32, #tpu.memory_space<hbm>> -> memref<13312xf32, #tpu.memory_space<hbm>>
    tpu.wait_dma2 semaphore(%arg23 : memref<!tpu.dma_semaphore, #tpu.memory_space<semaphore_mem>>) src(%arg11 : memref<13312xf32, #tpu.memory_space<vmem>>) dst(%dma_wait3A_212 : memref<13312xf32, #tpu.memory_space<hbm>>)
    %dma_start3A_213 = arith.constant 0 : i32
    %dma_start3A_214 = tpu.memref_slice %arg3[%dma_start3A_213] : memref<41600000xf32, #tpu.memory_space<hbm>> -> memref<41600000xf32, #tpu.memory_space<hbm>>
    tpu.enqueue_indirect_dma source(%dma_start3A_214 : memref<41600000xf32, #tpu.memory_space<hbm>>) target(%arg11 : memref<13312xf32, #tpu.memory_space<vmem>>) offsets(%arg7 : memref<13312xi32, #tpu.memory_space<vmem>>) semaphore(%arg19 : memref<!tpu.dma_semaphore, #tpu.memory_space<semaphore_mem>>)
    %add3A_215 = arith.constant 199680 : i32
    %add3A_216 = arith.addi %mul3A_2, %add3A_215 : i32
    %dma_start3A_217 = tpu.memref_slice %arg2[%add3A_216] : memref<6815744xi32, #tpu.memory_space<hbm>> -> memref<13312xi32, #tpu.memory_space<hbm>>
    %dma_start3A_218 = tpu.memref_slice %arg2[%add3A_216] : memref<6815744xi32, #tpu.memory_space<hbm>> -> memref<13312xi32, #tpu.memory_space<hbm>>
    tpu.enqueue_dma source(%dma_start3A_218 : memref<13312xi32, #tpu.memory_space<hbm>>) target(%arg8 : memref<13312xi32, #tpu.memory_space<vmem>>) target_semaphore(%arg16 : memref<!tpu.dma_semaphore, #tpu.memory_space<semaphore_mem>>)
    %dma_wait3A_219 = arith.constant 0 : i32
    %dma_wait3A_220 = tpu.memref_slice %arg3[%dma_wait3A_219] : memref<41600000xf32, #tpu.memory_space<hbm>> -> memref<41600000xf32, #tpu.memory_space<hbm>>
    tpu.wait_indirect_dma semaphore(%arg17 : memref<!tpu.dma_semaphore, #tpu.memory_space<semaphore_mem>>) src(%dma_wait3A_220 : memref<41600000xf32, #tpu.memory_space<hbm>>) dst(%arg9 : memref<13312xf32, #tpu.memory_space<vmem>>)
    %add3A_221 = arith.constant 159744 : i32
    %add3A_222 = arith.addi %mul3A_2, %add3A_221 : i32
    %dma_start3A_223 = tpu.memref_slice %arg4[%add3A_222] : memref<6815744xf32, #tpu.memory_space<hbm>> -> memref<13312xf32, #tpu.memory_space<hbm>>
    %dma_start3A_224 = tpu.memref_slice %arg4[%add3A_222] : memref<6815744xf32, #tpu.memory_space<hbm>> -> memref<13312xf32, #tpu.memory_space<hbm>>
    tpu.enqueue_dma source(%arg9 : memref<13312xf32, #tpu.memory_space<vmem>>) target(%dma_start3A_224 : memref<13312xf32, #tpu.memory_space<hbm>>) target_semaphore(%arg21 : memref<!tpu.dma_semaphore, #tpu.memory_space<semaphore_mem>>)
    %dma_wait3A_225 = tpu.memref_slice %arg2[%add3A_216] : memref<6815744xi32, #tpu.memory_space<hbm>> -> memref<13312xi32, #tpu.memory_space<hbm>>
    %dma_wait3A_226 = tpu.memref_slice %arg2[%add3A_216] : memref<6815744xi32, #tpu.memory_space<hbm>> -> memref<13312xi32, #tpu.memory_space<hbm>>
    tpu.wait_dma2 semaphore(%arg16 : memref<!tpu.dma_semaphore, #tpu.memory_space<semaphore_mem>>) src(%dma_wait3A_226 : memref<13312xi32, #tpu.memory_space<hbm>>) dst(%arg8 : memref<13312xi32, #tpu.memory_space<vmem>>)
    %dma_wait3A_227 = tpu.memref_slice %arg4[%add3A_206] : memref<6815744xf32, #tpu.memory_space<hbm>> -> memref<13312xf32, #tpu.memory_space<hbm>>
    %dma_wait3A_228 = tpu.memref_slice %arg4[%add3A_206] : memref<6815744xf32, #tpu.memory_space<hbm>> -> memref<13312xf32, #tpu.memory_space<hbm>>
    tpu.wait_dma2 semaphore(%arg24 : memref<!tpu.dma_semaphore, #tpu.memory_space<semaphore_mem>>) src(%arg12 : memref<13312xf32, #tpu.memory_space<vmem>>) dst(%dma_wait3A_228 : memref<13312xf32, #tpu.memory_space<hbm>>)
    %dma_start3A_229 = arith.constant 0 : i32
    %dma_start3A_230 = tpu.memref_slice %arg3[%dma_start3A_229] : memref<41600000xf32, #tpu.memory_space<hbm>> -> memref<41600000xf32, #tpu.memory_space<hbm>>
    tpu.enqueue_indirect_dma source(%dma_start3A_230 : memref<41600000xf32, #tpu.memory_space<hbm>>) target(%arg12 : memref<13312xf32, #tpu.memory_space<vmem>>) offsets(%arg8 : memref<13312xi32, #tpu.memory_space<vmem>>) semaphore(%arg20 : memref<!tpu.dma_semaphore, #tpu.memory_space<semaphore_mem>>)
    %dma_wait3A_231 = arith.constant 0 : i32
    %dma_wait3A_232 = tpu.memref_slice %arg3[%dma_wait3A_231] : memref<41600000xf32, #tpu.memory_space<hbm>> -> memref<41600000xf32, #tpu.memory_space<hbm>>
    tpu.wait_indirect_dma semaphore(%arg18 : memref<!tpu.dma_semaphore, #tpu.memory_space<semaphore_mem>>) src(%dma_wait3A_232 : memref<41600000xf32, #tpu.memory_space<hbm>>) dst(%arg10 : memref<13312xf32, #tpu.memory_space<vmem>>)
    %add3A_233 = arith.constant 173056 : i32
    %add3A_234 = arith.addi %mul3A_2, %add3A_233 : i32
    %dma_start3A_235 = tpu.memref_slice %arg4[%add3A_234] : memref<6815744xf32, #tpu.memory_space<hbm>> -> memref<13312xf32, #tpu.memory_space<hbm>>
    %dma_start3A_236 = tpu.memref_slice %arg4[%add3A_234] : memref<6815744xf32, #tpu.memory_space<hbm>> -> memref<13312xf32, #tpu.memory_space<hbm>>
    tpu.enqueue_dma source(%arg10 : memref<13312xf32, #tpu.memory_space<vmem>>) target(%dma_start3A_236 : memref<13312xf32, #tpu.memory_space<hbm>>) target_semaphore(%arg22 : memref<!tpu.dma_semaphore, #tpu.memory_space<semaphore_mem>>)
    %dma_wait3A_237 = arith.constant 0 : i32
    %dma_wait3A_238 = tpu.memref_slice %arg3[%dma_wait3A_237] : memref<41600000xf32, #tpu.memory_space<hbm>> -> memref<41600000xf32, #tpu.memory_space<hbm>>
    tpu.wait_indirect_dma semaphore(%arg19 : memref<!tpu.dma_semaphore, #tpu.memory_space<semaphore_mem>>) src(%dma_wait3A_238 : memref<41600000xf32, #tpu.memory_space<hbm>>) dst(%arg11 : memref<13312xf32, #tpu.memory_space<vmem>>)
    %add3A_239 = arith.constant 186368 : i32
    %add3A_240 = arith.addi %mul3A_2, %add3A_239 : i32
    %dma_start3A_241 = tpu.memref_slice %arg4[%add3A_240] : memref<6815744xf32, #tpu.memory_space<hbm>> -> memref<13312xf32, #tpu.memory_space<hbm>>
    %dma_start3A_242 = tpu.memref_slice %arg4[%add3A_240] : memref<6815744xf32, #tpu.memory_space<hbm>> -> memref<13312xf32, #tpu.memory_space<hbm>>
    tpu.enqueue_dma source(%arg11 : memref<13312xf32, #tpu.memory_space<vmem>>) target(%dma_start3A_242 : memref<13312xf32, #tpu.memory_space<hbm>>) target_semaphore(%arg23 : memref<!tpu.dma_semaphore, #tpu.memory_space<semaphore_mem>>)
    %dma_wait3A_243 = arith.constant 0 : i32
    %dma_wait3A_244 = tpu.memref_slice %arg3[%dma_wait3A_243] : memref<41600000xf32, #tpu.memory_space<hbm>> -> memref<41600000xf32, #tpu.memory_space<hbm>>
    tpu.wait_indirect_dma semaphore(%arg20 : memref<!tpu.dma_semaphore, #tpu.memory_space<semaphore_mem>>) src(%dma_wait3A_244 : memref<41600000xf32, #tpu.memory_space<hbm>>) dst(%arg12 : memref<13312xf32, #tpu.memory_space<vmem>>)
    %add3A_245 = arith.constant 199680 : i32
    %add3A_246 = arith.addi %mul3A_2, %add3A_245 : i32
    %dma_start3A_247 = tpu.memref_slice %arg4[%add3A_246] : memref<6815744xf32, #tpu.memory_space<hbm>> -> memref<13312xf32, #tpu.memory_space<hbm>>
    %dma_start3A_248 = tpu.memref_slice %arg4[%add3A_246] : memref<6815744xf32, #tpu.memory_space<hbm>> -> memref<13312xf32, #tpu.memory_space<hbm>>
    tpu.enqueue_dma source(%arg12 : memref<13312xf32, #tpu.memory_space<vmem>>) target(%dma_start3A_248 : memref<13312xf32, #tpu.memory_space<hbm>>) target_semaphore(%arg24 : memref<!tpu.dma_semaphore, #tpu.memory_space<semaphore_mem>>)
    %dma_wait3A_249 = tpu.memref_slice %arg4[%add3A_222] : memref<6815744xf32, #tpu.memory_space<hbm>> -> memref<13312xf32, #tpu.memory_space<hbm>>
    %dma_wait3A_250 = tpu.memref_slice %arg4[%add3A_222] : memref<6815744xf32, #tpu.memory_space<hbm>> -> memref<13312xf32, #tpu.memory_space<hbm>>
    tpu.wait_dma2 semaphore(%arg21 : memref<!tpu.dma_semaphore, #tpu.memory_space<semaphore_mem>>) src(%arg9 : memref<13312xf32, #tpu.memory_space<vmem>>) dst(%dma_wait3A_250 : memref<13312xf32, #tpu.memory_space<hbm>>)
    %dma_wait3A_251 = tpu.memref_slice %arg4[%add3A_234] : memref<6815744xf32, #tpu.memory_space<hbm>> -> memref<13312xf32, #tpu.memory_space<hbm>>
    %dma_wait3A_252 = tpu.memref_slice %arg4[%add3A_234] : memref<6815744xf32, #tpu.memory_space<hbm>> -> memref<13312xf32, #tpu.memory_space<hbm>>
    tpu.wait_dma2 semaphore(%arg22 : memref<!tpu.dma_semaphore, #tpu.memory_space<semaphore_mem>>) src(%arg10 : memref<13312xf32, #tpu.memory_space<vmem>>) dst(%dma_wait3A_252 : memref<13312xf32, #tpu.memory_space<hbm>>)
    %dma_wait3A_253 = tpu.memref_slice %arg4[%add3A_240] : memref<6815744xf32, #tpu.memory_space<hbm>> -> memref<13312xf32, #tpu.memory_space<hbm>>
    %dma_wait3A_254 = tpu.memref_slice %arg4[%add3A_240] : memref<6815744xf32, #tpu.memory_space<hbm>> -> memref<13312xf32, #tpu.memory_space<hbm>>
    tpu.wait_dma2 semaphore(%arg23 : memref<!tpu.dma_semaphore, #tpu.memory_space<semaphore_mem>>) src(%arg11 : memref<13312xf32, #tpu.memory_space<vmem>>) dst(%dma_wait3A_254 : memref<13312xf32, #tpu.memory_space<hbm>>)
    %dma_wait3A_255 = tpu.memref_slice %arg4[%add3A_246] : memref<6815744xf32, #tpu.memory_space<hbm>> -> memref<13312xf32, #tpu.memory_space<hbm>>
    %dma_wait3A_256 = tpu.memref_slice %arg4[%add3A_246] : memref<6815744xf32, #tpu.memory_space<hbm>> -> memref<13312xf32, #tpu.memory_space<hbm>>
    tpu.wait_dma2 semaphore(%arg24 : memref<!tpu.dma_semaphore, #tpu.memory_space<semaphore_mem>>) src(%arg12 : memref<13312xf32, #tpu.memory_space<vmem>>) dst(%dma_wait3A_256 : memref<13312xf32, #tpu.memory_space<hbm>>)
    return
  }
}

</mosaic_0001>

<sc_bundles>
// kernel: _embed.3.cloned.1.call-start
scs
__scs_entry_jumppad:
0x0: {  	(pc) =	sbr.rel $0x88, $3  }
0x1: {  	(tag) =	ssettag $0x0;
	lr =	simm.s32 $0x1  }
0x2: {  	[smem:$0x3F9F] =	sst lr;
	_ =	strace $0xD0000000  }
0x3: {  	_ = 	snop  }
0x4: {  	_ = 	snop  }
0x5: {  	_ = 	snop  }
0x6: {  	_ = 	snop  }
0x7: {  	_ = 	snop  }
__scs_overlays_trampoline_lowered:
0x8: {  	[smem:$0x3FAE] =	sst s0  }
0x9: {  	[smem:$0x3FAF] =	sst s1  }
0xa: {  	[smem:$0x3FB0] =	sst s2  }
0xb: {  	[smem:$0x3FB1] =	sst s3  }
0xc: {  	[smem:$0x3FB2] =	sst s4  }
0xd: {  	[smem:$0x3FB3] =	sst s5  }
0xe: {  	[smem:$0x3FB4] =	sst s6  }
0xf: {  	[smem:$0x3FB5] =	sst s7  }
0x10: {  	[smem:$0x3FB6] =	sst s8  }
0x11: {  	[smem:$0x3FB7] =	sst s9;
	s0 =	simm.s32 @!p0 $0x0  }
0x12: {  	s1 =	sld [smem:$0x3F9D];
	s0 =	simm.s32 @p0 $0x1  }
0x13: {  	[smem:$0x3FB8] =	sst s0;
	s0 =	simm.s32 @!p1 $0x0  }
0x14: {  	s2 =	sld [smem:$0x3F9C];
	s0 =	simm.s32 @p1 $0x1  }
0x15: {  	[smem:$0x3FB9] =	sst s0;
	s0 =	simm.s32 @!p2 $0x0  }
0x16: {  	s3 =	sld [smem:$0x3FDB];
	s0 =	simm.s32 @p2 $0x1  }
0x17: {  	s4 =	simm.s32 $0x1BF5;
	[smem:$0x3FBB] =	sst s0  }
0x18: {  	s0 =	sld [smem:$0x3F9E];
	_ =	swait.ge [sflag:s4], $0x0  }
0x19: {  	s7 =	sld [smem:$0x3F9F]  }
0x1a: {  	s8 =	sadd.s32 $0xFFFFE003, lr  }
0x1b: {  	s9 =	sadd.s32 $0xFFFFFEF7, lr;
	s5 =	simm.s32 $0xFFFFFFFF;
	p2 =	slt.u32 s8, $0xFFFFF086  }
0x1c: {  	p1 =	slt.u32 s9, $0xF7A;
	s5 =	simm.s32 @!p2 $0x0  }
0x1d: {  	s5 =	simm.s32 @p1 $0x1;
	p0 =	seq.s32 s7, s2  }
0x1e: {  	s7 =	smul.u32 @!p0 $0xF7A, s2;
	p2 =	seq.s32 @!p0 s5, $0x0  }
0x1f: {  	s9 =	smul.u32 $0xF7A, s1;
	s8 =	simm.s32 @!p0 $0x1BF5;
	p2 =	por !p2, p0  }
0x20: {  	[sflag:s8] =	ssyncset.s32 @!p0 $0xFFFFF086;
	s6 =	sadd.s32 @!p0 s3, s7;
	s7 =	simm.s32 @!p0 $0x108  }
0x21: {  	s3 =	sadd.s32 s3, s9;
	s6 =	sadd.s32 @!p0 $0x88, s6;
	s7 =	simm.s32 @p2 $0x1082  }
0x22: {  	[simem:s7], [sflag:s8] =	dma.local @!p0 [hbm:s6], $0xF7A  }
0x23: {  	s9 =	sor.u32 $0xD0000000, s2;
	s6 =	simm.s32 $0x108;
	_ =	swait.ge @!p0 [sflag:s8], $0x0  }
0x24: {  	s3 =	sadd.s32 $0x88, s3;
	s6 =	simm.s32 @!p1 $0x1082;
	[sflag:s4] =	ssyncset.s32 $0xFFFFF086  }
0x25: {  	[simem:s6], [sflag:s4] =	dma.local [hbm:s3], $0xF7A  }
0x26: {  	[smem:$0x3F9F] =	sst s1;
	(tag) =	ssettag s2;
	_ =	strace s9  }
0x27: {  	s1 =	sld [smem:$0x3FAF]  }
0x28: {  	s2 =	sld [smem:$0x3FB0]  }
0x29: {  	s4 =	sld [smem:$0x3FB2]  }
0x2a: {  	p0 =	seq.s32 s5, $0x0;
	s5 =	sld [smem:$0x3FB3]  }
0x2b: {  	s6 =	sld [smem:$0x3FB4]  }
0x2c: {  	s7 =	sld [smem:$0x3FB5]  }
0x2d: {  	s3 =	simm.s32 $0x108;
	s8 =	sld [smem:$0x3FB6]  }
0x2e: {  	s3 =	simm.s32 @!p0 $0x1082;
	s9 =	sld [smem:$0x3FB7]  }
0x2f: {  	lr =	sadd.s32 s0, s3;
	s0 =	sld [smem:$0x3FAE]  }
0x30: {  	s3 =	sld [smem:$0x3FB1]  }
0x31: {  	[smem:$0x3FBA] =	sst s10  }
0x32: {  	s10 =	sld [smem:$0x3FB8];
	_ =	sdelay $0x3  }
0x33: {  	p0 =	seq.s32 s10, $0x1;
	s10 =	sld [smem:$0x3FBA];
	_ =	sdelay $0x3  }
0x34: {  	[smem:$0x3FBA] =	sst s10  }
0x35: {  	s10 =	sld [smem:$0x3FB9];
	_ =	sdelay $0x3  }
0x36: {  	p1 =	seq.s32 s10, $0x1;
	s10 =	sld [smem:$0x3FBA];
	_ =	sdelay $0x3  }
0x37: {  	[smem:$0x3FBA] =	sst s10  }
0x38: {  	s10 =	sld [smem:$0x3FBB]  }
0x39: {  	_ = 	snop;
	(pc) =	sbr.ind lr, $3  }
0x3a: {  	_ = 	snop  }
0x3b: {  	_ = 	snop  }
0x3c: {  	p2 =	seq.s32 s10, $0x1;
	s10 =	sld [smem:$0x3FBA]  }
0x3d: {  	_ =	shalt  }
0x3e: {  	_ =	shalt  }
0x3f: {  	_ =	shalt  }
0x40: {  	_ =	shalt  }
0x41: {  	_ =	shalt  }
0x42: {  	_ =	shalt  }
0x43: {  	_ =	shalt  }
0x44: {  	_ =	shalt  }
0x45: {  	_ =	shalt  }
0x46: {  	_ =	shalt  }
0x47: {  	_ =	shalt  }
0x48: {  	_ =	shalt  }
0x49: {  	_ =	shalt  }
0x4a: {  	_ =	shalt  }
0x4b: {  	_ =	shalt  }
0x4c: {  	_ =	shalt  }
0x4d: {  	_ =	shalt  }
0x4e: {  	_ =	shalt  }
0x4f: {  	_ =	shalt  }
0x50: {  	_ =	shalt  }
0x51: {  	_ =	shalt  }
0x52: {  	_ =	shalt  }
0x53: {  	_ =	shalt  }
0x54: {  	_ =	shalt  }
0x55: {  	_ =	shalt  }
0x56: {  	_ =	shalt  }
0x57: {  	_ =	shalt  }
0x58: {  	_ =	shalt  }
0x59: {  	_ =	shalt  }
0x5a: {  	_ =	shalt  }
0x5b: {  	_ =	shalt  }
0x5c: {  	_ =	shalt  }
0x5d: {  	_ =	shalt  }
0x5e: {  	_ =	shalt  }
0x5f: {  	_ =	shalt  }
0x60: {  	_ =	shalt  }
0x61: {  	_ =	shalt  }
0x62: {  	_ =	shalt  }
0x63: {  	_ =	shalt  }
0x64: {  	_ =	shalt  }
0x65: {  	_ =	shalt  }
0x66: {  	_ =	shalt  }
0x67: {  	_ =	shalt  }
0x68: {  	_ =	shalt  }
0x69: {  	_ =	shalt  }
0x6a: {  	_ =	shalt  }
0x6b: {  	_ =	shalt  }
0x6c: {  	_ =	shalt  }
0x6d: {  	_ =	shalt  }
0x6e: {  	_ =	shalt  }
0x6f: {  	_ =	shalt  }
0x70: {  	_ =	shalt  }
0x71: {  	_ =	shalt  }
0x72: {  	_ =	shalt  }
0x73: {  	_ =	shalt  }
0x74: {  	_ =	shalt  }
0x75: {  	_ =	shalt  }
0x76: {  	_ =	shalt  }
0x77: {  	_ =	shalt  }
0x78: {  	_ =	shalt  }
0x79: {  	_ =	shalt  }
0x7a: {  	_ =	shalt  }
0x7b: {  	_ =	shalt  }
0x7c: {  	_ =	shalt  }
0x7d: {  	_ =	shalt  }
0x7e: {  	_ =	shalt  }
0x7f: {  	_ =	shalt  }
0x80: {  	_ =	shalt  }
0x81: {  	_ =	shalt  }
0x82: {  	_ =	shalt  }
0x83: {  	_ =	shalt  }
0x84: {  	_ =	shalt  }
0x85: {  	_ =	shalt  }
0x86: {  	_ =	shalt  }
0x87: {  	_ =	shalt  }
.Lfunc_end0:
.L_simem_size_0:
called_computation_lowered:
.L_overlay_start_0:
0x88: {  	s2 =	sld [smem:$0x3FD9]  }
0x89: {  	s3 =	sld [smem:$0x3FFE];
	_ =	sdelay $0x1  }
0x8a: {  	s1 =	srdreg.scid  }
0x8b: {  	s0 =	sand.u32 $0x1, s1  }
0x8c: {  	s17 =	sshll.u32 s0, $0xA;
	s2 =	sadd.s32 s3, s2  }
0x8d: {  	s2 =	sadd.s32 s2, s17  }
0x8e: {  	[smem:$0x3FC6] =	sst s2  }
0x8f: {  	_ = 	snop  }
0x90: {  	s2 =	sld [smem:$0x3FD0];
	(tm) =	ssettm $0x1  }
0x91: {  	s18 =	sld [smem:$0x3FFB];
	_ =	sdelay $0x3  }
0x92: {  	_ =	strace s18  }
0x93: {  	s3 =	sld [smem:$0x3FFC];
	_ =	sdelay $0x3  }
0x94: {  	_ =	strace s3  }
0x95: {  	s3 =	sld [smem:$0x3FFD];
	_ =	sdelay $0x3  }
0x96: {  	_ =	strace s3  }
0x97: {  	_ =	strace $0x8FFFFFFF  }
0x98: {  	s19 =	sld [smem:$0x3FDB];
	_ =	sdelay $0x1  }
0x99: {  	s4 =	simm.s32 $_scs_section_size  }
0x9a: {  	s5 =	simm.s32 $_size__tile_overlayer_lowered;
	s6 =	simm.s32 $_tile_overlayer_lowered  }
0x9b: {  	s22 =	simm.s32 $0x1BFF;
	s21 =	sshll.u32 s6, $0x1;
	s3 =	sadd.s32 s4, s19  }
0x9c: {  	s7 =	simm.s32 $0x0;
	s20 =	sshll.u32 s5, $0x1;
	s5 =	sadd.s32 s21, s3  }
0x9d: {  	[timem:s7], [sflag:s22] =	dma.local [hbm:s5], s20  }
0x9e: {  	_ =	swait.ge [sflag:s22], s20  }
0x9f: {  	s4 =	ssub.s32 $0x0, s20;
	[sflag:s22] =	ssyncset.done $0x0  }
0xa0: {  	[sflag:s22] =	ssyncadd.s32 s4;
	_ =	sdelay $0x1  }
0xa1: {  	s23 =	simm.s32 $0x1B8B  }
0xa2: {  	_ =	swait.ge [sflag:s23], $0x1  }
0xa3: {  	[sflag:s23] =	ssyncset.done $0x0  }
0xa4: {  	s25 =	simm.s32 $0x1B8E;
	s24 =	sld [smem:$0x3FFE];
	[sflag:s23] =	ssyncadd.s32 $0xFFFFFFFF  }
0xa5: {  	s26 =	simm.s32 $execute0_lowered;
	[smem:$0x3FD2] =	sst s25  }
0xa6: {  	s5 =	sshll.u32 s26, $0x1;
	_ =	strace $0x80000046;
	[dreg:$0x1] =	wrdreg $0xFFFFFFFF  }
0xa7: {  	s28 =	simm.s32 $_size_execute0_lowered;
	s3 =	sadd.s32 s3, s5;
	[dreg:$0x0] =	wrdreg $0x0  }
0xa8: {  	s5 =	sshll.u32 s28, $0x1;
	[dreg:$0x2] =	wrdreg s3  }
0xa9: {  	[dreg:$0x3] =	wrdreg s5  }
0xaa: {  	[dreg:$0x4] =	wrdreg $0xC0  }
0xab: {  	_ =	task [dreg:s7], $0x5FFFF  }
0xac: {  	[dreg:$0x1] =	wrdreg $0xFFFFFFFF  }
0xad: {  	[dreg:$0x0] =	wrdreg $0x60  }
0xae: {  	[dreg:$0x2] =	wrdreg s2  }
0xaf: {  	[dreg:$0x3] =	wrdreg s24  }
0xb0: {  	[dreg:$0x4] =	wrdreg $0x9  }
0xb1: {  	_ =	task.clear_ibuf [dreg:s7], $0x5FFFF;
	_ =	strace $0x90000046  }
0xb2: {  	s29 =	simm.s32 $0x9;
	_ =	strace $0x80000048  }
0xb3: {  	_ =	swait.ge [sflag:s29], $0x1  }
0xb4: {  	[sflag:s29] =	ssyncadd.s32 $0xFFFFFFFF  }
0xb5: {  	_ =	strace $0x90000048  }
0xb6: {  	_ =	sfence  }
0xb7: {  	s30 =	sld [smem:$0x0];
	_ =	sdelay $0x2  }
0xb8: {  	s31 =	sshll.u32 s1, $0xD;
	s1 =	sshrl.u32 s1, $0x2  }
0xb9: {  	s3 =	sand.u32 $0x4000, s31;
	s1 =	sadd.s32 s1, s30  }
0xba: {  	s0 =	sor.u32 s3, s0;
	s1 =	sshll.u32 s1, $0x11  }
0xbb: {  	s0 =	sor.u32 s1, s0  }
0xbc: {  	s0 =	sadd.s32 $0x8F2B, s0  }
0xbd: {  	[sflag:s0] =	ssyncadd.remote.s32 $0x1  }
0xbe: {  	_ =	sfence.sel $0xFFFF  }
0xbf: {  	[dreg:$0x0] =	wrdreg $0xFFFFFFFF;
	(pc) =	sbr.abs _section_cstart, $3  }
0xc0: {  	[dreg:$0x1] =	wrdreg $0xFFFFFFFF  }
0xc1: {  	_ =	task.clear_ibuf [dreg:s7], $0x2FFFF;
	_ =	strace $0x9FFFFFFF  }
0xc2: {  	(tm) =	ssettm $0x7FFFFFFF  }
0xc3: {  	_ =	shalt  }
tec
execute0_lowered:
.L_overlay_start_1:
0x0: {  	(tag) =	ssettag $0x1  }
0x1: {  	s0 =	srdreg.scid;
	s1 =	stileid.u32  }
0x2: {  	s5 =	sand.u32 $0x1, s0;
	s18 =	sshll.u32 s1, $0x1  }
0x3: {  	s0 =	sor.u32 s5, s18  }
0x4: {  	s3 =	rddreg [dreg:$0x1];
	s2 =	simm.s32 $0x0;
	s0 =	smul.u32 $0x34000, s0  }
0x5: {  	s31 =	simm.s32 $0x1;
	s30 =	simm.s32 $0x2;
	s1 =	rddreg [dreg:$0x0]  }
0x6: {  	s29 =	simm.s32 $0x3;
	[smem:$0x7FF] =	sst s2;
	s4 =	sshrl.u32 s0, $0x3  }
0x7: {  	s7 =	sadd.s32 $0x4F5E00, s3;
	_ =	strace $0x80000047;
	s0 =	sadd.s32 s1, s4  }
0x8: {  	s6 =	sor.u32 $0x680, s4;
	s22 =	sadd.s32 s7, s4;
	[dreg:$0x3] =	wrdreg s0  }
0x9: {  	s8 =	sadd.s32 $0xD00, s4;
	s19 =	sadd.s32 s1, s6;
	[dreg:$0x7] =	wrdreg s22  }
0xa: {  	s9 =	sadd.s32 $0x1380, s4;
	s20 =	sadd.s32 s1, s8;
	[dreg:$0x4] =	wrdreg s19  }
0xb: {  	s10 =	sadd.s32 $0x1A00, s4;
	s21 =	sadd.s32 s1, s9;
	[dreg:$0x5] =	wrdreg s20  }
0xc: {  	p0 =	por $0x0, $0x0;
	s23 =	sadd.s32 s1, s10;
	[dreg:$0x6] =	wrdreg s21  }
0xd: {  	s25 =	sadd.s32 $0x2080, s4;
	s24 =	sadd.s32 s7, s6;
	[dreg:$0x8] =	wrdreg s23  }
0xe: {  	s3 =	sadd.s32 $0x400, s3;
	s26 =	sadd.s32 s1, s25;
	[dreg:$0x9] =	wrdreg s24  }
0xf: {  	s11 =	sadd.s32 $0x2700, s4;
	s8 =	sadd.s32 s7, s8;
	[dreg:$0xa] =	wrdreg s26  }
0x10: {  	s5 =	ssub.s32 $0x2, s5;
	s12 =	sadd.s32 s1, s11;
	[dreg:$0xb] =	wrdreg s8  }
0x11: {  	s14 =	sadd.s32 $0x2D80, s4;
	s13 =	sadd.s32 s7, s9;
	[dreg:$0xc] =	wrdreg s12  }
0x12: {  	s17 =	sadd.s32 $0x3400, s4;
	s15 =	sadd.s32 s1, s14;
	[dreg:$0xd] =	wrdreg s13  }
0x13: {  	s16 =	sadd.s32 s7, s10;
	s18 =	sadd.s32 s1, s17;
	[dreg:$0xe] =	wrdreg s15  }
0x14: {  	s22 =	sadd.s32 s7, s11;
	s10 =	simm.s32 $0x3400;
	[dreg:$0xf] =	wrdreg s16  }
0x15: {  	s9 =	simm.s32 $0xB;
	[dreg:$0x10] =	wrdreg s18;
	s19 =	sadd.s32 s7, s25  }
0x16: {  	s20 =	sadd.s32 $0x3A80, s4;
	s23 =	sadd.s32 $0x4100, s4;
	[dreg:$0x13] =	wrdreg s22  }
0x17: {  	s25 =	sadd.s32 s7, s14;
	s26 =	sadd.s32 $0x4780, s4;
	s12 =	sadd.s32 s7, s17  }
0x18: {  	s13 =	sadd.s32 $0x4E00, s4;
	s16 =	sadd.s32 $0x5480, s4;
	s0 =	rddreg [dreg:$0x3]  }
0x19: {  	s8 =	simm.s32 $0x16C00;
	[dreg:$0x11] =	wrdreg s19;
	s21 =	sadd.s32 s1, s20  }
0x1a: {  	s24 =	sadd.s32 s1, s23;
	[dreg:$0x15] =	wrdreg s25;
	s11 =	sadd.s32 s1, s26  }
0x1b: {  	[dreg:$0x17] =	wrdreg s12;
	s14 =	sadd.s32 s1, s13;
	s15 =	sadd.s32 s7, s20  }
0x1c: {  	s18 =	sadd.s32 s1, s16;
	s19 =	sadd.s32 $0x5B00, s4;
	s28 =	sadd.s32 s7, s23  }
0x1d: {  	s4 =	sadd.s32 $0x6180, s4;
	s22 =	sadd.s32 s7, s26;
	[dreg:$0x12] =	wrdreg s21  }
0x1e: {  	s6 =	sadd.s32 s7, s16;
	s23 =	simm.s32 $0x6800;
	[dreg:$0x14] =	wrdreg s24  }
0x1f: {  	s16 =	simm.s32 $0x10400;
	[dreg:$0x16] =	wrdreg s11;
	s11 =	sshrl.u32 s5, $0x1  }
0x20: {  	s26 =	simm.s32 $0x5;
	[dreg:$0x18] =	wrdreg s14;
	s11 =	ssub.s32 s5, s11  }
0x21: {  	s25 =	simm.s32 $0x4;
	[dreg:$0x19] =	wrdreg s15;
	s20 =	smax.u32 s11, $0x1  }
0x22: {  	s12 =	simm.s32 $0xA;
	[dreg:$0x1a] =	wrdreg s18;
	p1 =	sne.s32 s20, $0x1  }
.Ltmp0:
0x23: {  	s24 =	sadd.s32 s1, s19;
	s17 =	sadd.s32 s1, s4;
	(pc) =	sbr.rel @!p1 .LBB2_3-.Ltmp0, $4  }
0x24: {  	s14 =	sadd.s32 s7, s13;
	s4 =	sadd.s32 s7, s4;
	s15 =	simm.s32 $0x9C00  }
0x25: {  	s21 =	simm.s32 $0xD000;
	s13 =	simm.s32 $0x9;
	s18 =	simm.s32 $0x8  }
0x26: {  	s5 =	sadd.s32 s7, s19;
	s19 =	simm.s32 $0x6;
	s7 =	simm.s32 $0xC  }
0x27: {  	s11 =	simm.s32 $0x13800;
	s1 =	sadd.s32 $0xFFFFFFFF, s20;
	s20 =	simm.s32 $0x7  }
0x28: {  	[dreg:$0x1b] =	wrdreg s1  }
0x29: {  	[tilespmem:s2], [sflag:$0x1] =	stream.linear.gather [hbm4b:s0+s2], $0x3400, $0x38;
	[tilespmem:$0x1A000] =	vst v63  }
0x2a: {  	s1 =	rddreg [dreg:$0x4]  }
0x2b: {  	[tilespmem:s10], [sflag:$0x2] =	stream.linear.gather [hbm4b:s1+s2], $0x3400, $0x38;
	[tilespmem:$0x1A000] =	vst v63  }
0x2c: {  	s0 =	rddreg [dreg:$0x5]  }
0x2d: {  	[tilespmem:s23], [sflag:$0x3] =	stream.linear.gather [hbm4b:s0+s2], $0x3400, $0x38;
	[tilespmem:$0x1A000] =	vst v63  }
0x2e: {  	s1 =	rddreg [dreg:$0x6]  }
0x2f: {  	[tilespmem:s15], [sflag:$0x4] =	stream.linear.gather [hbm4b:s1+s2], $0x3400, $0x38;
	[tilespmem:$0x1A000] =	vst v63  }
0x30: {  	_ =	swait.ge [sflag:s31], $0x3400  }
0x31: {  	[sflag:s31] =	ssyncset.done $0x0  }
0x32: {  	[sflag:s31] =	ssyncadd.s32 $0xFFFFCC00  }
0x33: {  	[tilespmem:s21], [sflag:$0x5] =	stream.indirect.gather [hbm4b:s3+s10], $0x1, s2, s10, $0xb8;
	[tilespmem:$0x1A000] =	vst v63  }
0x34: {  	_ =	swait.ge [sflag:s30], $0x3400  }
0x35: {  	[sflag:s30] =	ssyncset.done $0x0  }
0x36: {  	[sflag:s30] =	ssyncadd.s32 $0xFFFFCC00  }
0x37: {  	[tilespmem:s16], [sflag:$0x6] =	stream.indirect.gather [hbm4b:s3+s10], $0x1, s10, s10, $0xb8;
	[tilespmem:$0x1A000] =	vst v63  }
0x38: {  	_ =	swait.ge [sflag:s29], $0x3400  }
0x39: {  	[sflag:s29] =	ssyncset.done $0x0  }
0x3a: {  	[sflag:s29] =	ssyncadd.s32 $0xFFFFCC00  }
0x3b: {  	[tilespmem:s11], [sflag:$0x7] =	stream.indirect.gather [hbm4b:s3+s10], $0x1, s23, s10, $0xb8;
	[tilespmem:$0x1A000] =	vst v63  }
0x3c: {  	_ =	swait.ge [sflag:s26], $0x3400  }
0x3d: {  	[sflag:s26] =	ssyncset.done $0x0  }
0x3e: {  	s1 =	rddreg [dreg:$0x7];
	[sflag:s26] =	ssyncadd.s32 $0xFFFFCC00  }
0x3f: {  	[hbm4b:s1+s2] =	stream.linear.scatter [tilespmem:s21], [sflag:$0x9], $0x3400, $0x38;
	[tilespmem:$0x1A000] =	vst v63  }
0x40: {  	_ =	swait.ge [sflag:s25], $0x3400  }
0x41: {  	[sflag:s25] =	ssyncset.done $0x0  }
0x42: {  	[sflag:s25] =	ssyncadd.s32 $0xFFFFCC00  }
0x43: {  	[tilespmem:s8], [sflag:$0x8] =	stream.indirect.gather [hbm4b:s3+s10], $0x1, s15, s10, $0xb8;
	[tilespmem:$0x1A000] =	vst v63  }
0x44: {  	s1 =	rddreg [dreg:$0x8]  }
0x45: {  	[tilespmem:s2], [sflag:$0x1] =	stream.linear.gather [hbm4b:s1+s2], $0x3400, $0x38;
	[tilespmem:$0x1A000] =	vst v63  }
0x46: {  	_ =	swait.ge [sflag:s19], $0x3400  }
0x47: {  	[sflag:s19] =	ssyncset.done $0x0  }
0x48: {  	s1 =	rddreg [dreg:$0x9];
	[sflag:s19] =	ssyncadd.s32 $0xFFFFCC00  }
0x49: {  	[hbm4b:s1+s2] =	stream.linear.scatter [tilespmem:s16], [sflag:$0xA], $0x3400, $0x38;
	[tilespmem:$0x1A000] =	vst v63  }
0x4a: {  	_ =	swait.ge [sflag:s31], $0x3400  }
0x4b: {  	[sflag:s31] =	ssyncset.done $0x0  }
0x4c: {  	[sflag:s31] =	ssyncadd.s32 $0xFFFFCC00  }
0x4d: {  	_ =	swait.ge [sflag:s13], $0x3400  }
0x4e: {  	[sflag:s13] =	ssyncset.done $0x0  }
0x4f: {  	[sflag:s13] =	ssyncadd.s32 $0xFFFFCC00  }
0x50: {  	[tilespmem:s21], [sflag:$0x5] =	stream.indirect.gather [hbm4b:s3+s10], $0x1, s2, s10, $0xb8;
	[tilespmem:$0x1A000] =	vst v63  }
0x51: {  	s1 =	rddreg [dreg:$0xa]  }
0x52: {  	[tilespmem:s10], [sflag:$0x2] =	stream.linear.gather [hbm4b:s1+s2], $0x3400, $0x38;
	[tilespmem:$0x1A000] =	vst v63  }
0x53: {  	_ =	swait.ge [sflag:s20], $0x3400  }
0x54: {  	[sflag:s20] =	ssyncset.done $0x0  }
0x55: {  	s1 =	rddreg [dreg:$0xb];
	[sflag:s20] =	ssyncadd.s32 $0xFFFFCC00  }
0x56: {  	[hbm4b:s1+s2] =	stream.linear.scatter [tilespmem:s11], [sflag:$0xB], $0x3400, $0x38;
	[tilespmem:$0x1A000] =	vst v63  }
0x57: {  	_ =	swait.ge [sflag:s30], $0x3400  }
0x58: {  	[sflag:s30] =	ssyncset.done $0x0  }
0x59: {  	[sflag:s30] =	ssyncadd.s32 $0xFFFFCC00  }
0x5a: {  	_ =	swait.ge [sflag:s12], $0x3400  }
0x5b: {  	[sflag:s12] =	ssyncset.done $0x0  }
0x5c: {  	[sflag:s12] =	ssyncadd.s32 $0xFFFFCC00  }
0x5d: {  	[tilespmem:s16], [sflag:$0x6] =	stream.indirect.gather [hbm4b:s3+s10], $0x1, s10, s10, $0xb8;
	[tilespmem:$0x1A000] =	vst v63  }
0x5e: {  	s1 =	rddreg [dreg:$0xc]  }
0x5f: {  	[tilespmem:s23], [sflag:$0x3] =	stream.linear.gather [hbm4b:s1+s2], $0x3400, $0x38;
	[tilespmem:$0x1A000] =	vst v63  }
0x60: {  	_ =	swait.ge [sflag:s18], $0x3400  }
0x61: {  	[sflag:s18] =	ssyncset.done $0x0  }
0x62: {  	s1 =	rddreg [dreg:$0xd];
	[sflag:s18] =	ssyncadd.s32 $0xFFFFCC00  }
0x63: {  	[hbm4b:s1+s2] =	stream.linear.scatter [tilespmem:s8], [sflag:$0xC], $0x3400, $0x38;
	[tilespmem:$0x1A000] =	vst v63  }
0x64: {  	_ =	swait.ge [sflag:s29], $0x3400  }
0x65: {  	[sflag:s29] =	ssyncset.done $0x0  }
0x66: {  	[sflag:s29] =	ssyncadd.s32 $0xFFFFCC00  }
0x67: {  	_ =	swait.ge [sflag:s9], $0x3400  }
0x68: {  	[sflag:s9] =	ssyncset.done $0x0  }
0x69: {  	[sflag:s9] =	ssyncadd.s32 $0xFFFFCC00  }
0x6a: {  	[tilespmem:s11], [sflag:$0x7] =	stream.indirect.gather [hbm4b:s3+s10], $0x1, s23, s10, $0xb8;
	[tilespmem:$0x1A000] =	vst v63  }
0x6b: {  	s1 =	rddreg [dreg:$0xe]  }
0x6c: {  	[tilespmem:s15], [sflag:$0x4] =	stream.linear.gather [hbm4b:s1+s2], $0x3400, $0x38;
	[tilespmem:$0x1A000] =	vst v63  }
0x6d: {  	_ =	swait.ge [sflag:s26], $0x3400  }
0x6e: {  	[sflag:s26] =	ssyncset.done $0x0  }
0x6f: {  	s1 =	rddreg [dreg:$0xf];
	[sflag:s26] =	ssyncadd.s32 $0xFFFFCC00  }
0x70: {  	[hbm4b:s1+s2] =	stream.linear.scatter [tilespmem:s21], [sflag:$0x9], $0x3400, $0x38;
	[tilespmem:$0x1A000] =	vst v63  }
0x71: {  	_ =	swait.ge [sflag:s25], $0x3400  }
0x72: {  	[sflag:s25] =	ssyncset.done $0x0  }
0x73: {  	[sflag:s25] =	ssyncadd.s32 $0xFFFFCC00  }
0x74: {  	_ =	swait.ge [sflag:s7], $0x3400  }
0x75: {  	[sflag:s7] =	ssyncset.done $0x0  }
0x76: {  	[sflag:s7] =	ssyncadd.s32 $0xFFFFCC00  }
0x77: {  	[tilespmem:s8], [sflag:$0x8] =	stream.indirect.gather [hbm4b:s3+s10], $0x1, s15, s10, $0xb8;
	[tilespmem:$0x1A000] =	vst v63  }
0x78: {  	s1 =	rddreg [dreg:$0x10]  }
0x79: {  	[tilespmem:s2], [sflag:$0x1] =	stream.linear.gather [hbm4b:s1+s2], $0x3400, $0x38;
	[tilespmem:$0x1A000] =	vst v63  }
0x7a: {  	_ =	swait.ge [sflag:s19], $0x3400  }
0x7b: {  	[sflag:s19] =	ssyncset.done $0x0  }
0x7c: {  	s1 =	rddreg [dreg:$0x11];
	[sflag:s19] =	ssyncadd.s32 $0xFFFFCC00  }
0x7d: {  	[hbm4b:s1+s2] =	stream.linear.scatter [tilespmem:s16], [sflag:$0xA], $0x3400, $0x38;
	[tilespmem:$0x1A000] =	vst v63  }
0x7e: {  	_ =	swait.ge [sflag:s31], $0x3400  }
0x7f: {  	[sflag:s31] =	ssyncset.done $0x0  }
0x80: {  	[sflag:s31] =	ssyncadd.s32 $0xFFFFCC00  }
0x81: {  	_ =	swait.ge [sflag:s13], $0x3400  }
0x82: {  	[sflag:s13] =	ssyncset.done $0x0  }
0x83: {  	[sflag:s13] =	ssyncadd.s32 $0xFFFFCC00  }
0x84: {  	[tilespmem:s21], [sflag:$0x5] =	stream.indirect.gather [hbm4b:s3+s10], $0x1, s2, s10, $0xb8;
	[tilespmem:$0x1A000] =	vst v63  }
0x85: {  	s1 =	rddreg [dreg:$0x12]  }
0x86: {  	[tilespmem:s10], [sflag:$0x2] =	stream.linear.gather [hbm4b:s1+s2], $0x3400, $0x38;
	[tilespmem:$0x1A000] =	vst v63  }
0x87: {  	_ =	swait.ge [sflag:s20], $0x3400  }
0x88: {  	[sflag:s20] =	ssyncset.done $0x0  }
0x89: {  	s1 =	rddreg [dreg:$0x13];
	[sflag:s20] =	ssyncadd.s32 $0xFFFFCC00  }
0x8a: {  	[hbm4b:s1+s2] =	stream.linear.scatter [tilespmem:s11], [sflag:$0xB], $0x3400, $0x38;
	[tilespmem:$0x1A000] =	vst v63  }
0x8b: {  	_ =	swait.ge [sflag:s30], $0x3400  }
0x8c: {  	[sflag:s30] =	ssyncset.done $0x0  }
0x8d: {  	[sflag:s30] =	ssyncadd.s32 $0xFFFFCC00  }
0x8e: {  	_ =	swait.ge [sflag:s12], $0x3400  }
0x8f: {  	[sflag:s12] =	ssyncset.done $0x0  }
0x90: {  	[sflag:s12] =	ssyncadd.s32 $0xFFFFCC00  }
0x91: {  	[tilespmem:s16], [sflag:$0x6] =	stream.indirect.gather [hbm4b:s3+s10], $0x1, s10, s10, $0xb8;
	[tilespmem:$0x1A000] =	vst v63  }
0x92: {  	s1 =	rddreg [dreg:$0x14]  }
0x93: {  	[tilespmem:s23], [sflag:$0x3] =	stream.linear.gather [hbm4b:s1+s2], $0x3400, $0x38;
	[tilespmem:$0x1A000] =	vst v63  }
0x94: {  	_ =	swait.ge [sflag:s18], $0x3400  }
0x95: {  	[sflag:s18] =	ssyncset.done $0x0  }
0x96: {  	s1 =	rddreg [dreg:$0x15];
	[sflag:s18] =	ssyncadd.s32 $0xFFFFCC00  }
0x97: {  	[hbm4b:s1+s2] =	stream.linear.scatter [tilespmem:s8], [sflag:$0xC], $0x3400, $0x38;
	[tilespmem:$0x1A000] =	vst v63  }
0x98: {  	_ =	swait.ge [sflag:s29], $0x3400  }
0x99: {  	[sflag:s29] =	ssyncset.done $0x0  }
0x9a: {  	[sflag:s29] =	ssyncadd.s32 $0xFFFFCC00  }
0x9b: {  	_ =	swait.ge [sflag:s9], $0x3400  }
0x9c: {  	[sflag:s9] =	ssyncset.done $0x0  }
0x9d: {  	[sflag:s9] =	ssyncadd.s32 $0xFFFFCC00  }
0x9e: {  	[tilespmem:s11], [sflag:$0x7] =	stream.indirect.gather [hbm4b:s3+s10], $0x1, s23, s10, $0xb8;
	[tilespmem:$0x1A000] =	vst v63  }
0x9f: {  	s1 =	rddreg [dreg:$0x16]  }
0xa0: {  	[tilespmem:s15], [sflag:$0x4] =	stream.linear.gather [hbm4b:s1+s2], $0x3400, $0x38;
	[tilespmem:$0x1A000] =	vst v63  }
0xa1: {  	_ =	swait.ge [sflag:s26], $0x3400  }
0xa2: {  	[sflag:s26] =	ssyncset.done $0x0  }
0xa3: {  	s1 =	rddreg [dreg:$0x17];
	[sflag:s26] =	ssyncadd.s32 $0xFFFFCC00  }
0xa4: {  	[hbm4b:s1+s2] =	stream.linear.scatter [tilespmem:s21], [sflag:$0x9], $0x3400, $0x38;
	[tilespmem:$0x1A000] =	vst v63  }
0xa5: {  	_ =	swait.ge [sflag:s25], $0x3400  }
0xa6: {  	[sflag:s25] =	ssyncset.done $0x0  }
0xa7: {  	[sflag:s25] =	ssyncadd.s32 $0xFFFFCC00  }
0xa8: {  	_ =	swait.ge [sflag:s7], $0x3400  }
0xa9: {  	[sflag:s7] =	ssyncset.done $0x0  }
0xaa: {  	[sflag:s7] =	ssyncadd.s32 $0xFFFFCC00  }
0xab: {  	[tilespmem:s8], [sflag:$0x8] =	stream.indirect.gather [hbm4b:s3+s10], $0x1, s15, s10, $0xb8;
	[tilespmem:$0x1A000] =	vst v63  }
0xac: {  	s1 =	rddreg [dreg:$0x18]  }
0xad: {  	[tilespmem:s2], [sflag:$0x1] =	stream.linear.gather [hbm4b:s1+s2], $0x3400, $0x38;
	[tilespmem:$0x1A000] =	vst v63  }
0xae: {  	_ =	swait.ge [sflag:s19], $0x3400  }
0xaf: {  	[sflag:s19] =	ssyncset.done $0x0  }
0xb0: {  	s1 =	rddreg [dreg:$0x19];
	[sflag:s19] =	ssyncadd.s32 $0xFFFFCC00  }
0xb1: {  	[hbm4b:s1+s2] =	stream.linear.scatter [tilespmem:s16], [sflag:$0xA], $0x3400, $0x38;
	[tilespmem:$0x1A000] =	vst v63  }
0xb2: {  	_ =	swait.ge [sflag:s31], $0x3400  }
0xb3: {  	[sflag:s31] =	ssyncset.done $0x0  }
0xb4: {  	[sflag:s31] =	ssyncadd.s32 $0xFFFFCC00  }
0xb5: {  	_ =	swait.ge [sflag:s13], $0x3400  }
0xb6: {  	[sflag:s13] =	ssyncset.done $0x0  }
0xb7: {  	[sflag:s13] =	ssyncadd.s32 $0xFFFFCC00  }
0xb8: {  	[tilespmem:s21], [sflag:$0x5] =	stream.indirect.gather [hbm4b:s3+s10], $0x1, s2, s10, $0xb8;
	[tilespmem:$0x1A000] =	vst v63  }
0xb9: {  	s1 =	rddreg [dreg:$0x1a]  }
0xba: {  	[tilespmem:s10], [sflag:$0x2] =	stream.linear.gather [hbm4b:s1+s2], $0x3400, $0x38;
	[tilespmem:$0x1A000] =	vst v63  }
0xbb: {  	_ =	swait.ge [sflag:s20], $0x3400  }
0xbc: {  	[sflag:s20] =	ssyncset.done $0x0  }
0xbd: {  	[sflag:s20] =	ssyncadd.s32 $0xFFFFCC00  }
0xbe: {  	[hbm4b:s28+s2] =	stream.linear.scatter [tilespmem:s11], [sflag:$0xB], $0x3400, $0x38;
	[tilespmem:$0x1A000] =	vst v63  }
0xbf: {  	_ =	swait.ge [sflag:s30], $0x3400  }
0xc0: {  	[sflag:s30] =	ssyncset.done $0x0  }
0xc1: {  	[sflag:s30] =	ssyncadd.s32 $0xFFFFCC00  }
0xc2: {  	_ =	swait.ge [sflag:s12], $0x3400  }
0xc3: {  	[sflag:s12] =	ssyncset.done $0x0  }
0xc4: {  	[sflag:s12] =	ssyncadd.s32 $0xFFFFCC00  }
0xc5: {  	[tilespmem:s16], [sflag:$0x6] =	stream.indirect.gather [hbm4b:s3+s10], $0x1, s10, s10, $0xb8;
	[tilespmem:$0x1A000] =	vst v63  }
0xc6: {  	_ = 	snop  }
0xc7: {  	[tilespmem:s23], [sflag:$0x3] =	stream.linear.gather [hbm4b:s24+s2], $0x3400, $0x38;
	[tilespmem:$0x1A000] =	vst v63  }
0xc8: {  	_ =	swait.ge [sflag:s18], $0x3400  }
0xc9: {  	[sflag:s18] =	ssyncset.done $0x0  }
0xca: {  	[sflag:s18] =	ssyncadd.s32 $0xFFFFCC00  }
0xcb: {  	[hbm4b:s22+s2] =	stream.linear.scatter [tilespmem:s8], [sflag:$0xC], $0x3400, $0x38;
	[tilespmem:$0x1A000] =	vst v63  }
0xcc: {  	_ =	swait.ge [sflag:s29], $0x3400  }
0xcd: {  	[sflag:s29] =	ssyncset.done $0x0  }
0xce: {  	[sflag:s29] =	ssyncadd.s32 $0xFFFFCC00  }
0xcf: {  	_ =	swait.ge [sflag:s9], $0x3400  }
0xd0: {  	[sflag:s9] =	ssyncset.done $0x0  }
0xd1: {  	[sflag:s9] =	ssyncadd.s32 $0xFFFFCC00  }
0xd2: {  	[tilespmem:s11], [sflag:$0x7] =	stream.indirect.gather [hbm4b:s3+s10], $0x1, s23, s10, $0xb8;
	[tilespmem:$0x1A000] =	vst v63  }
0xd3: {  	_ = 	snop  }
0xd4: {  	[tilespmem:s15], [sflag:$0x4] =	stream.linear.gather [hbm4b:s17+s2], $0x3400, $0x38;
	[tilespmem:$0x1A000] =	vst v63  }
0xd5: {  	_ =	swait.ge [sflag:s26], $0x3400  }
0xd6: {  	[sflag:s26] =	ssyncset.done $0x0  }
0xd7: {  	[sflag:s26] =	ssyncadd.s32 $0xFFFFCC00  }
0xd8: {  	[hbm4b:s14+s2] =	stream.linear.scatter [tilespmem:s21], [sflag:$0x9], $0x3400, $0x38;
	[tilespmem:$0x1A000] =	vst v63  }
0xd9: {  	_ =	swait.ge [sflag:s25], $0x3400  }
0xda: {  	[sflag:s25] =	ssyncset.done $0x0  }
0xdb: {  	[sflag:s25] =	ssyncadd.s32 $0xFFFFCC00  }
0xdc: {  	_ =	swait.ge [sflag:s7], $0x3400  }
0xdd: {  	[sflag:s7] =	ssyncset.done $0x0  }
0xde: {  	[sflag:s7] =	ssyncadd.s32 $0xFFFFCC00  }
0xdf: {  	[tilespmem:s8], [sflag:$0x8] =	stream.indirect.gather [hbm4b:s3+s10], $0x1, s15, s10, $0xb8;
	[tilespmem:$0x1A000] =	vst v63  }
0xe0: {  	_ =	swait.ge [sflag:s19], $0x3400  }
0xe1: {  	[sflag:s19] =	ssyncset.done $0x0  }
0xe2: {  	[sflag:s19] =	ssyncadd.s32 $0xFFFFCC00  }
0xe3: {  	[hbm4b:s6+s2] =	stream.linear.scatter [tilespmem:s16], [sflag:$0xA], $0x3400, $0x38;
	[tilespmem:$0x1A000] =	vst v63  }
0xe4: {  	_ =	swait.ge [sflag:s20], $0x3400  }
0xe5: {  	[sflag:s20] =	ssyncset.done $0x0  }
0xe6: {  	[sflag:s20] =	ssyncadd.s32 $0xFFFFCC00  }
0xe7: {  	[hbm4b:s5+s2] =	stream.linear.scatter [tilespmem:s11], [sflag:$0xB], $0x3400, $0x38;
	[tilespmem:$0x1A000] =	vst v63  }
0xe8: {  	_ =	swait.ge [sflag:s18], $0x3400  }
0xe9: {  	[sflag:s18] =	ssyncset.done $0x0  }
0xea: {  	[sflag:s18] =	ssyncadd.s32 $0xFFFFCC00  }
0xeb: {  	[hbm4b:s4+s2] =	stream.linear.scatter [tilespmem:s8], [sflag:$0xC], $0x3400, $0x38;
	[tilespmem:$0x1A000] =	vst v63  }
0xec: {  	_ =	swait.ge [sflag:s13], $0x3400  }
0xed: {  	[sflag:s13] =	ssyncset.done $0x0  }
0xee: {  	[sflag:s13] =	ssyncadd.s32 $0xFFFFCC00  }
0xef: {  	_ =	swait.ge [sflag:s12], $0x3400  }
0xf0: {  	[sflag:s12] =	ssyncset.done $0x0  }
0xf1: {  	[sflag:s12] =	ssyncadd.s32 $0xFFFFCC00  }
0xf2: {  	_ =	swait.ge [sflag:s9], $0x3400  }
0xf3: {  	s1 =	rddreg [dreg:$0x1b]  }
0xf4: {  	p1 =	sne.s32 s1, $0x1  }
.Ltmp1:
0xf5: {  	_ = 	snop;
	(pc) =	sbr.rel @!p1 .LBB2_3-.Ltmp1, $4  }
0xf6: {  	[sflag:s9] =	ssyncset.done $0x0  }
0xf7: {  	[sflag:s9] =	ssyncadd.s32 $0xFFFFCC00  }
0xf8: {  	p0 =	por $0x1, $0x1;
	_ =	swait.ge [sflag:s7], $0x3400  }
0xf9: {  	s1 =	sadd.s32 $0xFFFFFFFF, s1;
	s0 =	rddreg [dreg:$0x3];
	[sflag:s7] =	ssyncset.done $0x0  }
.LBB2_2:
0xfa: {  	[sflag:s7] =	ssyncadd.s32 $0xFFFFCC00  }
0xfb: {  	s8 =	smov.u32 s28;
	s28 =	smov.u32 s24;
	s24 =	smov.u32 s22  }
0xfc: {  	s22 =	smov.u32 s17;
	s17 =	smov.u32 s14;
	s14 =	smov.u32 s6  }
0xfd: {  	[tilespmem:s2], [sflag:$0x1] =	stream.linear.gather [hbm4b:s0+s2], $0x3400, $0x38;
	[tilespmem:$0x1A000] =	vst v63  }
0xfe: {  	s6 =	smov.u32 s5;
	s5 =	smov.u32 s4;
	s4 =	rddreg [dreg:$0x4]  }
0xff: {  	[tilespmem:s10], [sflag:$0x2] =	stream.linear.gather [hbm4b:s4+s2], $0x3400, $0x38;
	[tilespmem:$0x1A000] =	vst v63  }
0x100: {  	s0 =	rddreg [dreg:$0x5]  }
0x101: {  	[tilespmem:s23], [sflag:$0x3] =	stream.linear.gather [hbm4b:s0+s2], $0x3400, $0x38;
	[tilespmem:$0x1A000] =	vst v63  }
0x102: {  	s4 =	rddreg [dreg:$0x6]  }
0x103: {  	[tilespmem:s15], [sflag:$0x4] =	stream.linear.gather [hbm4b:s4+s2], $0x3400, $0x38;
	[tilespmem:$0x1A000] =	vst v63  }
0x104: {  	_ =	swait.ge [sflag:s31], $0x3400  }
0x105: {  	[sflag:s31] =	ssyncset.done $0x0  }
0x106: {  	[sflag:s31] =	ssyncadd.s32 $0xFFFFCC00  }
0x107: {  	[tilespmem:s21], [sflag:$0x5] =	stream.indirect.gather [hbm4b:s3+s10], $0x1, s2, s10, $0xb8;
	[tilespmem:$0x1A000] =	vst v63  }
0x108: {  	_ =	swait.ge [sflag:s30], $0x3400  }
0x109: {  	[sflag:s30] =	ssyncset.done $0x0  }
0x10a: {  	[sflag:s30] =	ssyncadd.s32 $0xFFFFCC00  }
0x10b: {  	[tilespmem:s16], [sflag:$0x6] =	stream.indirect.gather [hbm4b:s3+s10], $0x1, s10, s10, $0xb8;
	[tilespmem:$0x1A000] =	vst v63  }
0x10c: {  	_ =	swait.ge [sflag:s29], $0x3400  }
0x10d: {  	[sflag:s29] =	ssyncset.done $0x0  }
0x10e: {  	[sflag:s29] =	ssyncadd.s32 $0xFFFFCC00  }
0x10f: {  	[tilespmem:s11], [sflag:$0x7] =	stream.indirect.gather [hbm4b:s3+s10], $0x1, s23, s10, $0xb8;
	[tilespmem:$0x1A000] =	vst v63  }
0x110: {  	_ =	swait.ge [sflag:s26], $0x3400  }
0x111: {  	s4 =	smov.u32 s5;
	s5 =	smov.u32 s6;
	[sflag:s26] =	ssyncset.done $0x0  }
0x112: {  	s6 =	smov.u32 s14;
	s0 =	rddreg [dreg:$0x7];
	[sflag:s26] =	ssyncadd.s32 $0xFFFFCC00  }
0x113: {  	[hbm4b:s0+s2] =	stream.linear.scatter [tilespmem:s21], [sflag:$0x9], $0x3400, $0x38;
	[tilespmem:$0x1A000] =	vst v63  }
0x114: {  	s14 =	smov.u32 s17;
	s17 =	smov.u32 s22;
	_ =	swait.ge [sflag:s25], $0x3400  }
0x115: {  	s22 =	smov.u32 s24;
	s24 =	smov.u32 s28;
	[sflag:s25] =	ssyncset.done $0x0  }
0x116: {  	s28 =	smov.u32 s8;
	s8 =	simm.s32 $0x16C00;
	[sflag:s25] =	ssyncadd.s32 $0xFFFFCC00  }
0x117: {  	[tilespmem:s8], [sflag:$0x8] =	stream.indirect.gather [hbm4b:s3+s10], $0x1, s15, s10, $0xb8;
	[tilespmem:$0x1A000] =	vst v63  }
0x118: {  	s0 =	rddreg [dreg:$0x8]  }
0x119: {  	[tilespmem:s2], [sflag:$0x1] =	stream.linear.gather [hbm4b:s0+s2], $0x3400, $0x38;
	[tilespmem:$0x1A000] =	vst v63  }
0x11a: {  	_ =	swait.ge [sflag:s19], $0x3400  }
0x11b: {  	[sflag:s19] =	ssyncset.done $0x0  }
0x11c: {  	s0 =	rddreg [dreg:$0x9];
	[sflag:s19] =	ssyncadd.s32 $0xFFFFCC00  }
0x11d: {  	[hbm4b:s0+s2] =	stream.linear.scatter [tilespmem:s16], [sflag:$0xA], $0x3400, $0x38;
	[tilespmem:$0x1A000] =	vst v63  }
0x11e: {  	_ =	swait.ge [sflag:s31], $0x3400  }
0x11f: {  	[sflag:s31] =	ssyncset.done $0x0  }
0x120: {  	[sflag:s31] =	ssyncadd.s32 $0xFFFFCC00  }
0x121: {  	_ =	swait.ge [sflag:s13], $0x3400  }
0x122: {  	[sflag:s13] =	ssyncset.done $0x0  }
0x123: {  	[sflag:s13] =	ssyncadd.s32 $0xFFFFCC00  }
0x124: {  	[tilespmem:s21], [sflag:$0x5] =	stream.indirect.gather [hbm4b:s3+s10], $0x1, s2, s10, $0xb8;
	[tilespmem:$0x1A000] =	vst v63  }
0x125: {  	s0 =	rddreg [dreg:$0xa]  }
0x126: {  	[tilespmem:s10], [sflag:$0x2] =	stream.linear.gather [hbm4b:s0+s2], $0x3400, $0x38;
	[tilespmem:$0x1A000] =	vst v63  }
0x127: {  	_ =	swait.ge [sflag:s20], $0x3400  }
0x128: {  	[sflag:s20] =	ssyncset.done $0x0  }
0x129: {  	s0 =	rddreg [dreg:$0xb];
	[sflag:s20] =	ssyncadd.s32 $0xFFFFCC00  }
0x12a: {  	[hbm4b:s0+s2] =	stream.linear.scatter [tilespmem:s11], [sflag:$0xB], $0x3400, $0x38;
	[tilespmem:$0x1A000] =	vst v63  }
0x12b: {  	_ =	swait.ge [sflag:s30], $0x3400  }
0x12c: {  	[sflag:s30] =	ssyncset.done $0x0  }
0x12d: {  	[sflag:s30] =	ssyncadd.s32 $0xFFFFCC00  }
0x12e: {  	_ =	swait.ge [sflag:s12], $0x3400  }
0x12f: {  	[sflag:s12] =	ssyncset.done $0x0  }
0x130: {  	[sflag:s12] =	ssyncadd.s32 $0xFFFFCC00  }
0x131: {  	[tilespmem:s16], [sflag:$0x6] =	stream.indirect.gather [hbm4b:s3+s10], $0x1, s10, s10, $0xb8;
	[tilespmem:$0x1A000] =	vst v63  }
0x132: {  	s0 =	rddreg [dreg:$0xc]  }
0x133: {  	[tilespmem:s23], [sflag:$0x3] =	stream.linear.gather [hbm4b:s0+s2], $0x3400, $0x38;
	[tilespmem:$0x1A000] =	vst v63  }
0x134: {  	_ =	swait.ge [sflag:s18], $0x3400  }
0x135: {  	[sflag:s18] =	ssyncset.done $0x0  }
0x136: {  	s0 =	rddreg [dreg:$0xd];
	[sflag:s18] =	ssyncadd.s32 $0xFFFFCC00  }
0x137: {  	[hbm4b:s0+s2] =	stream.linear.scatter [tilespmem:s8], [sflag:$0xC], $0x3400, $0x38;
	[tilespmem:$0x1A000] =	vst v63  }
0x138: {  	_ =	swait.ge [sflag:s29], $0x3400  }
0x139: {  	[sflag:s29] =	ssyncset.done $0x0  }
0x13a: {  	[sflag:s29] =	ssyncadd.s32 $0xFFFFCC00  }
0x13b: {  	_ =	swait.ge [sflag:s9], $0x3400  }
0x13c: {  	[sflag:s9] =	ssyncset.done $0x0  }
0x13d: {  	[sflag:s9] =	ssyncadd.s32 $0xFFFFCC00  }
0x13e: {  	[tilespmem:s11], [sflag:$0x7] =	stream.indirect.gather [hbm4b:s3+s10], $0x1, s23, s10, $0xb8;
	[tilespmem:$0x1A000] =	vst v63  }
0x13f: {  	s0 =	rddreg [dreg:$0xe]  }
0x140: {  	[tilespmem:s15], [sflag:$0x4] =	stream.linear.gather [hbm4b:s0+s2], $0x3400, $0x38;
	[tilespmem:$0x1A000] =	vst v63  }
0x141: {  	_ =	swait.ge [sflag:s26], $0x3400  }
0x142: {  	[sflag:s26] =	ssyncset.done $0x0  }
0x143: {  	s0 =	rddreg [dreg:$0xf];
	[sflag:s26] =	ssyncadd.s32 $0xFFFFCC00  }
0x144: {  	[hbm4b:s0+s2] =	stream.linear.scatter [tilespmem:s21], [sflag:$0x9], $0x3400, $0x38;
	[tilespmem:$0x1A000] =	vst v63  }
0x145: {  	_ =	swait.ge [sflag:s25], $0x3400  }
0x146: {  	[sflag:s25] =	ssyncset.done $0x0  }
0x147: {  	[sflag:s25] =	ssyncadd.s32 $0xFFFFCC00  }
0x148: {  	_ =	swait.ge [sflag:s7], $0x3400  }
0x149: {  	[sflag:s7] =	ssyncset.done $0x0  }
0x14a: {  	[sflag:s7] =	ssyncadd.s32 $0xFFFFCC00  }
0x14b: {  	[tilespmem:s8], [sflag:$0x8] =	stream.indirect.gather [hbm4b:s3+s10], $0x1, s15, s10, $0xb8;
	[tilespmem:$0x1A000] =	vst v63  }
0x14c: {  	s0 =	rddreg [dreg:$0x10]  }
0x14d: {  	[tilespmem:s2], [sflag:$0x1] =	stream.linear.gather [hbm4b:s0+s2], $0x3400, $0x38;
	[tilespmem:$0x1A000] =	vst v63  }
0x14e: {  	_ =	swait.ge [sflag:s19], $0x3400  }
0x14f: {  	[sflag:s19] =	ssyncset.done $0x0  }
0x150: {  	s0 =	rddreg [dreg:$0x11];
	[sflag:s19] =	ssyncadd.s32 $0xFFFFCC00  }
0x151: {  	[hbm4b:s0+s2] =	stream.linear.scatter [tilespmem:s16], [sflag:$0xA], $0x3400, $0x38;
	[tilespmem:$0x1A000] =	vst v63  }
0x152: {  	_ =	swait.ge [sflag:s31], $0x3400  }
0x153: {  	[sflag:s31] =	ssyncset.done $0x0  }
0x154: {  	[sflag:s31] =	ssyncadd.s32 $0xFFFFCC00  }
0x155: {  	_ =	swait.ge [sflag:s13], $0x3400  }
0x156: {  	[sflag:s13] =	ssyncset.done $0x0  }
0x157: {  	[sflag:s13] =	ssyncadd.s32 $0xFFFFCC00  }
0x158: {  	[tilespmem:s21], [sflag:$0x5] =	stream.indirect.gather [hbm4b:s3+s10], $0x1, s2, s10, $0xb8;
	[tilespmem:$0x1A000] =	vst v63  }
0x159: {  	s0 =	rddreg [dreg:$0x12]  }
0x15a: {  	[tilespmem:s10], [sflag:$0x2] =	stream.linear.gather [hbm4b:s0+s2], $0x3400, $0x38;
	[tilespmem:$0x1A000] =	vst v63  }
0x15b: {  	_ =	swait.ge [sflag:s20], $0x3400  }
0x15c: {  	[sflag:s20] =	ssyncset.done $0x0  }
0x15d: {  	s0 =	rddreg [dreg:$0x13];
	[sflag:s20] =	ssyncadd.s32 $0xFFFFCC00  }
0x15e: {  	[hbm4b:s0+s2] =	stream.linear.scatter [tilespmem:s11], [sflag:$0xB], $0x3400, $0x38;
	[tilespmem:$0x1A000] =	vst v63  }
0x15f: {  	_ =	swait.ge [sflag:s30], $0x3400  }
0x160: {  	[sflag:s30] =	ssyncset.done $0x0  }
0x161: {  	[sflag:s30] =	ssyncadd.s32 $0xFFFFCC00  }
0x162: {  	_ =	swait.ge [sflag:s12], $0x3400  }
0x163: {  	[sflag:s12] =	ssyncset.done $0x0  }
0x164: {  	[sflag:s12] =	ssyncadd.s32 $0xFFFFCC00  }
0x165: {  	[tilespmem:s16], [sflag:$0x6] =	stream.indirect.gather [hbm4b:s3+s10], $0x1, s10, s10, $0xb8;
	[tilespmem:$0x1A000] =	vst v63  }
0x166: {  	s0 =	rddreg [dreg:$0x14]  }
0x167: {  	[tilespmem:s23], [sflag:$0x3] =	stream.linear.gather [hbm4b:s0+s2], $0x3400, $0x38;
	[tilespmem:$0x1A000] =	vst v63  }
0x168: {  	_ =	swait.ge [sflag:s18], $0x3400  }
0x169: {  	[sflag:s18] =	ssyncset.done $0x0  }
0x16a: {  	s0 =	rddreg [dreg:$0x15];
	[sflag:s18] =	ssyncadd.s32 $0xFFFFCC00  }
0x16b: {  	[hbm4b:s0+s2] =	stream.linear.scatter [tilespmem:s8], [sflag:$0xC], $0x3400, $0x38;
	[tilespmem:$0x1A000] =	vst v63  }
0x16c: {  	_ =	swait.ge [sflag:s29], $0x3400  }
0x16d: {  	[sflag:s29] =	ssyncset.done $0x0  }
0x16e: {  	[sflag:s29] =	ssyncadd.s32 $0xFFFFCC00  }
0x16f: {  	_ =	swait.ge [sflag:s9], $0x3400  }
0x170: {  	[sflag:s9] =	ssyncset.done $0x0  }
0x171: {  	[sflag:s9] =	ssyncadd.s32 $0xFFFFCC00  }
0x172: {  	[tilespmem:s11], [sflag:$0x7] =	stream.indirect.gather [hbm4b:s3+s10], $0x1, s23, s10, $0xb8;
	[tilespmem:$0x1A000] =	vst v63  }
0x173: {  	s0 =	rddreg [dreg:$0x16]  }
0x174: {  	[tilespmem:s15], [sflag:$0x4] =	stream.linear.gather [hbm4b:s0+s2], $0x3400, $0x38;
	[tilespmem:$0x1A000] =	vst v63  }
0x175: {  	_ =	swait.ge [sflag:s26], $0x3400  }
0x176: {  	[sflag:s26] =	ssyncset.done $0x0  }
0x177: {  	s0 =	rddreg [dreg:$0x17];
	[sflag:s26] =	ssyncadd.s32 $0xFFFFCC00  }
0x178: {  	[hbm4b:s0+s2] =	stream.linear.scatter [tilespmem:s21], [sflag:$0x9], $0x3400, $0x38;
	[tilespmem:$0x1A000] =	vst v63  }
0x179: {  	_ =	swait.ge [sflag:s25], $0x3400  }
0x17a: {  	[sflag:s25] =	ssyncset.done $0x0  }
0x17b: {  	[sflag:s25] =	ssyncadd.s32 $0xFFFFCC00  }
0x17c: {  	_ =	swait.ge [sflag:s7], $0x3400  }
0x17d: {  	[sflag:s7] =	ssyncset.done $0x0  }
0x17e: {  	[sflag:s7] =	ssyncadd.s32 $0xFFFFCC00  }
0x17f: {  	[tilespmem:s8], [sflag:$0x8] =	stream.indirect.gather [hbm4b:s3+s10], $0x1, s15, s10, $0xb8;
	[tilespmem:$0x1A000] =	vst v63  }
0x180: {  	s0 =	rddreg [dreg:$0x18]  }
0x181: {  	[tilespmem:s2], [sflag:$0x1] =	stream.linear.gather [hbm4b:s0+s2], $0x3400, $0x38;
	[tilespmem:$0x1A000] =	vst v63  }
0x182: {  	_ =	swait.ge [sflag:s19], $0x3400  }
0x183: {  	[sflag:s19] =	ssyncset.done $0x0  }
0x184: {  	s0 =	rddreg [dreg:$0x19];
	[sflag:s19] =	ssyncadd.s32 $0xFFFFCC00  }
0x185: {  	[hbm4b:s0+s2] =	stream.linear.scatter [tilespmem:s16], [sflag:$0xA], $0x3400, $0x38;
	[tilespmem:$0x1A000] =	vst v63  }
0x186: {  	_ =	swait.ge [sflag:s31], $0x3400  }
0x187: {  	[sflag:s31] =	ssyncset.done $0x0  }
0x188: {  	[sflag:s31] =	ssyncadd.s32 $0xFFFFCC00  }
0x189: {  	_ =	swait.ge [sflag:s13], $0x3400  }
0x18a: {  	[sflag:s13] =	ssyncset.done $0x0  }
0x18b: {  	[sflag:s13] =	ssyncadd.s32 $0xFFFFCC00  }
0x18c: {  	[tilespmem:s21], [sflag:$0x5] =	stream.indirect.gather [hbm4b:s3+s10], $0x1, s2, s10, $0xb8;
	[tilespmem:$0x1A000] =	vst v63  }
0x18d: {  	s0 =	rddreg [dreg:$0x1a]  }
0x18e: {  	[tilespmem:s10], [sflag:$0x2] =	stream.linear.gather [hbm4b:s0+s2], $0x3400, $0x38;
	[tilespmem:$0x1A000] =	vst v63  }
0x18f: {  	_ =	swait.ge [sflag:s20], $0x3400  }
0x190: {  	[sflag:s20] =	ssyncset.done $0x0  }
0x191: {  	[sflag:s20] =	ssyncadd.s32 $0xFFFFCC00  }
0x192: {  	[hbm4b:s28+s2] =	stream.linear.scatter [tilespmem:s11], [sflag:$0xB], $0x3400, $0x38;
	[tilespmem:$0x1A000] =	vst v63  }
0x193: {  	_ =	swait.ge [sflag:s30], $0x3400  }
0x194: {  	[sflag:s30] =	ssyncset.done $0x0  }
0x195: {  	[sflag:s30] =	ssyncadd.s32 $0xFFFFCC00  }
0x196: {  	_ =	swait.ge [sflag:s12], $0x3400  }
0x197: {  	[sflag:s12] =	ssyncset.done $0x0  }
0x198: {  	[sflag:s12] =	ssyncadd.s32 $0xFFFFCC00  }
0x199: {  	[tilespmem:s16], [sflag:$0x6] =	stream.indirect.gather [hbm4b:s3+s10], $0x1, s10, s10, $0xb8;
	[tilespmem:$0x1A000] =	vst v63  }
0x19a: {  	_ = 	snop  }
0x19b: {  	[tilespmem:s23], [sflag:$0x3] =	stream.linear.gather [hbm4b:s24+s2], $0x3400, $0x38;
	[tilespmem:$0x1A000] =	vst v63  }
0x19c: {  	_ =	swait.ge [sflag:s18], $0x3400  }
0x19d: {  	[sflag:s18] =	ssyncset.done $0x0  }
0x19e: {  	[sflag:s18] =	ssyncadd.s32 $0xFFFFCC00  }
0x19f: {  	[hbm4b:s22+s2] =	stream.linear.scatter [tilespmem:s8], [sflag:$0xC], $0x3400, $0x38;
	[tilespmem:$0x1A000] =	vst v63  }
0x1a0: {  	_ =	swait.ge [sflag:s29], $0x3400  }
0x1a1: {  	[sflag:s29] =	ssyncset.done $0x0  }
0x1a2: {  	[sflag:s29] =	ssyncadd.s32 $0xFFFFCC00  }
0x1a3: {  	_ =	swait.ge [sflag:s9], $0x3400  }
0x1a4: {  	[sflag:s9] =	ssyncset.done $0x0  }
0x1a5: {  	[sflag:s9] =	ssyncadd.s32 $0xFFFFCC00  }
0x1a6: {  	[tilespmem:s11], [sflag:$0x7] =	stream.indirect.gather [hbm4b:s3+s10], $0x1, s23, s10, $0xb8;
	[tilespmem:$0x1A000] =	vst v63  }
0x1a7: {  	_ = 	snop  }
0x1a8: {  	[tilespmem:s15], [sflag:$0x4] =	stream.linear.gather [hbm4b:s17+s2], $0x3400, $0x38;
	[tilespmem:$0x1A000] =	vst v63  }
0x1a9: {  	_ =	swait.ge [sflag:s26], $0x3400  }
0x1aa: {  	[sflag:s26] =	ssyncset.done $0x0  }
0x1ab: {  	[sflag:s26] =	ssyncadd.s32 $0xFFFFCC00  }
0x1ac: {  	[hbm4b:s14+s2] =	stream.linear.scatter [tilespmem:s21], [sflag:$0x9], $0x3400, $0x38;
	[tilespmem:$0x1A000] =	vst v63  }
0x1ad: {  	_ =	swait.ge [sflag:s25], $0x3400  }
0x1ae: {  	[sflag:s25] =	ssyncset.done $0x0  }
0x1af: {  	[sflag:s25] =	ssyncadd.s32 $0xFFFFCC00  }
0x1b0: {  	_ =	swait.ge [sflag:s7], $0x3400  }
0x1b1: {  	[sflag:s7] =	ssyncset.done $0x0  }
0x1b2: {  	[sflag:s7] =	ssyncadd.s32 $0xFFFFCC00  }
0x1b3: {  	[tilespmem:s8], [sflag:$0x8] =	stream.indirect.gather [hbm4b:s3+s10], $0x1, s15, s10, $0xb8;
	[tilespmem:$0x1A000] =	vst v63  }
0x1b4: {  	_ =	swait.ge [sflag:s19], $0x3400  }
0x1b5: {  	[sflag:s19] =	ssyncset.done $0x0  }
0x1b6: {  	[sflag:s19] =	ssyncadd.s32 $0xFFFFCC00  }
0x1b7: {  	[hbm4b:s6+s2] =	stream.linear.scatter [tilespmem:s16], [sflag:$0xA], $0x3400, $0x38;
	[tilespmem:$0x1A000] =	vst v63  }
0x1b8: {  	_ =	swait.ge [sflag:s20], $0x3400  }
0x1b9: {  	[sflag:s20] =	ssyncset.done $0x0  }
0x1ba: {  	[sflag:s20] =	ssyncadd.s32 $0xFFFFCC00  }
0x1bb: {  	[hbm4b:s5+s2] =	stream.linear.scatter [tilespmem:s11], [sflag:$0xB], $0x3400, $0x38;
	[tilespmem:$0x1A000] =	vst v63  }
0x1bc: {  	_ =	swait.ge [sflag:s18], $0x3400  }
0x1bd: {  	[sflag:s18] =	ssyncset.done $0x0  }
0x1be: {  	[sflag:s18] =	ssyncadd.s32 $0xFFFFCC00  }
0x1bf: {  	[hbm4b:s4+s2] =	stream.linear.scatter [tilespmem:s8], [sflag:$0xC], $0x3400, $0x38;
	[tilespmem:$0x1A000] =	vst v63  }
0x1c0: {  	_ =	swait.ge [sflag:s13], $0x3400  }
0x1c1: {  	[sflag:s13] =	ssyncset.done $0x0  }
0x1c2: {  	[sflag:s13] =	ssyncadd.s32 $0xFFFFCC00  }
0x1c3: {  	_ =	swait.ge [sflag:s12], $0x3400  }
0x1c4: {  	[sflag:s12] =	ssyncset.done $0x0  }
0x1c5: {  	p1 =	sne.s32 s1, $0x1;
	[sflag:s12] =	ssyncadd.s32 $0xFFFFCC00  }
.Ltmp2:
0x1c6: {  	_ =	swait.ge [sflag:s9], $0x3400;
	(pc) =	sbr.rel @p1 .LBB2_2-.Ltmp2, $4  }
0x1c7: {  	[sflag:s9] =	ssyncset.done $0x0  }
0x1c8: {  	[sflag:s9] =	ssyncadd.s32 $0xFFFFCC00  }
0x1c9: {  	_ =	swait.ge [sflag:s7], $0x3400  }
0x1ca: {  	s1 =	sadd.s32 $0xFFFFFFFF, s1;
	s0 =	rddreg [dreg:$0x3];
	[sflag:s7] =	ssyncset.done $0x0  }
.LBB2_3:
0x1cb: {  	[sflag:s7] =	ssyncadd.s32 @p0 $0xFFFFCC00  }
0x1cc: {  	[tilespmem:s2], [sflag:$0x1] =	stream.linear.gather [hbm4b:s0+s2], $0x3400, $0x38;
	[tilespmem:$0x1A000] =	vst v63  }
0x1cd: {  	s1 =	rddreg [dreg:$0x4]  }
0x1ce: {  	[tilespmem:s10], [sflag:$0x2] =	stream.linear.gather [hbm4b:s1+s2], $0x3400, $0x38;
	[tilespmem:$0x1A000] =	vst v63  }
0x1cf: {  	s0 =	rddreg [dreg:$0x5]  }
0x1d0: {  	[tilespmem:s23], [sflag:$0x3] =	stream.linear.gather [hbm4b:s0+s2], $0x3400, $0x38;
	[tilespmem:$0x1A000] =	vst v63  }
0x1d1: {  	s1 =	rddreg [dreg:$0x6]  }
0x1d2: {  	[tilespmem:s15], [sflag:$0x4] =	stream.linear.gather [hbm4b:s1+s2], $0x3400, $0x38;
	[tilespmem:$0x1A000] =	vst v63  }
0x1d3: {  	_ =	swait.ge [sflag:s31], $0x3400  }
0x1d4: {  	[sflag:s31] =	ssyncset.done $0x0  }
0x1d5: {  	[sflag:s31] =	ssyncadd.s32 $0xFFFFCC00  }
0x1d6: {  	[tilespmem:s21], [sflag:$0x5] =	stream.indirect.gather [hbm4b:s3+s10], $0x1, s2, s10, $0xb8;
	[tilespmem:$0x1A000] =	vst v63  }
0x1d7: {  	_ =	swait.ge [sflag:s30], $0x3400  }
0x1d8: {  	[sflag:s30] =	ssyncset.done $0x0  }
0x1d9: {  	[sflag:s30] =	ssyncadd.s32 $0xFFFFCC00  }
0x1da: {  	[tilespmem:s16], [sflag:$0x6] =	stream.indirect.gather [hbm4b:s3+s10], $0x1, s10, s10, $0xb8;
	[tilespmem:$0x1A000] =	vst v63  }
0x1db: {  	_ =	swait.ge [sflag:s29], $0x3400  }
0x1dc: {  	[sflag:s29] =	ssyncset.done $0x0  }
0x1dd: {  	[sflag:s29] =	ssyncadd.s32 $0xFFFFCC00  }
0x1de: {  	[tilespmem:s11], [sflag:$0x7] =	stream.indirect.gather [hbm4b:s3+s10], $0x1, s23, s10, $0xb8;
	[tilespmem:$0x1A000] =	vst v63  }
0x1df: {  	_ =	swait.ge [sflag:s26], $0x3400  }
0x1e0: {  	[sflag:s26] =	ssyncset.done $0x0  }
0x1e1: {  	s1 =	rddreg [dreg:$0x7];
	[sflag:s26] =	ssyncadd.s32 $0xFFFFCC00  }
0x1e2: {  	[hbm4b:s1+s2] =	stream.linear.scatter [tilespmem:s21], [sflag:$0x9], $0x3400, $0x38;
	[tilespmem:$0x1A000] =	vst v63  }
0x1e3: {  	_ =	swait.ge [sflag:s25], $0x3400  }
0x1e4: {  	[sflag:s25] =	ssyncset.done $0x0  }
0x1e5: {  	[sflag:s25] =	ssyncadd.s32 $0xFFFFCC00  }
0x1e6: {  	[tilespmem:s8], [sflag:$0x8] =	stream.indirect.gather [hbm4b:s3+s10], $0x1, s15, s10, $0xb8;
	[tilespmem:$0x1A000] =	vst v63  }
0x1e7: {  	s1 =	rddreg [dreg:$0x8]  }
0x1e8: {  	[tilespmem:s2], [sflag:$0x1] =	stream.linear.gather [hbm4b:s1+s2], $0x3400, $0x38;
	[tilespmem:$0x1A000] =	vst v63  }
0x1e9: {  	_ =	swait.ge [sflag:s19], $0x3400  }
0x1ea: {  	[sflag:s19] =	ssyncset.done $0x0  }
0x1eb: {  	s1 =	rddreg [dreg:$0x9];
	[sflag:s19] =	ssyncadd.s32 $0xFFFFCC00  }
0x1ec: {  	[hbm4b:s1+s2] =	stream.linear.scatter [tilespmem:s16], [sflag:$0xA], $0x3400, $0x38;
	[tilespmem:$0x1A000] =	vst v63  }
0x1ed: {  	_ =	swait.ge [sflag:s31], $0x3400  }
0x1ee: {  	[sflag:s31] =	ssyncset.done $0x0  }
0x1ef: {  	[sflag:s31] =	ssyncadd.s32 $0xFFFFCC00  }
0x1f0: {  	_ =	swait.ge [sflag:s13], $0x3400  }
0x1f1: {  	[sflag:s13] =	ssyncset.done $0x0  }
0x1f2: {  	[sflag:s13] =	ssyncadd.s32 $0xFFFFCC00  }
0x1f3: {  	[tilespmem:s21], [sflag:$0x5] =	stream.indirect.gather [hbm4b:s3+s10], $0x1, s2, s10, $0xb8;
	[tilespmem:$0x1A000] =	vst v63  }
0x1f4: {  	s1 =	rddreg [dreg:$0xa]  }
0x1f5: {  	[tilespmem:s10], [sflag:$0x2] =	stream.linear.gather [hbm4b:s1+s2], $0x3400, $0x38;
	[tilespmem:$0x1A000] =	vst v63  }
0x1f6: {  	_ =	swait.ge [sflag:s20], $0x3400  }
0x1f7: {  	[sflag:s20] =	ssyncset.done $0x0  }
0x1f8: {  	s1 =	rddreg [dreg:$0xb];
	[sflag:s20] =	ssyncadd.s32 $0xFFFFCC00  }
0x1f9: {  	[hbm4b:s1+s2] =	stream.linear.scatter [tilespmem:s11], [sflag:$0xB], $0x3400, $0x38;
	[tilespmem:$0x1A000] =	vst v63  }
0x1fa: {  	_ =	swait.ge [sflag:s30], $0x3400  }
0x1fb: {  	[sflag:s30] =	ssyncset.done $0x0  }
0x1fc: {  	[sflag:s30] =	ssyncadd.s32 $0xFFFFCC00  }
0x1fd: {  	_ =	swait.ge [sflag:s12], $0x3400  }
0x1fe: {  	[sflag:s12] =	ssyncset.done $0x0  }
0x1ff: {  	[sflag:s12] =	ssyncadd.s32 $0xFFFFCC00  }
0x200: {  	[tilespmem:s16], [sflag:$0x6] =	stream.indirect.gather [hbm4b:s3+s10], $0x1, s10, s10, $0xb8;
	[tilespmem:$0x1A000] =	vst v63  }
0x201: {  	s1 =	rddreg [dreg:$0xc]  }
0x202: {  	[tilespmem:s23], [sflag:$0x3] =	stream.linear.gather [hbm4b:s1+s2], $0x3400, $0x38;
	[tilespmem:$0x1A000] =	vst v63  }
0x203: {  	_ =	swait.ge [sflag:s18], $0x3400  }
0x204: {  	[sflag:s18] =	ssyncset.done $0x0  }
0x205: {  	s1 =	rddreg [dreg:$0xd];
	[sflag:s18] =	ssyncadd.s32 $0xFFFFCC00  }
0x206: {  	[hbm4b:s1+s2] =	stream.linear.scatter [tilespmem:s8], [sflag:$0xC], $0x3400, $0x38;
	[tilespmem:$0x1A000] =	vst v63  }
0x207: {  	_ =	swait.ge [sflag:s29], $0x3400  }
0x208: {  	[sflag:s29] =	ssyncset.done $0x0  }
0x209: {  	[sflag:s29] =	ssyncadd.s32 $0xFFFFCC00  }
0x20a: {  	_ =	swait.ge [sflag:s9], $0x3400  }
0x20b: {  	[sflag:s9] =	ssyncset.done $0x0  }
0x20c: {  	[sflag:s9] =	ssyncadd.s32 $0xFFFFCC00  }
0x20d: {  	[tilespmem:s11], [sflag:$0x7] =	stream.indirect.gather [hbm4b:s3+s10], $0x1, s23, s10, $0xb8;
	[tilespmem:$0x1A000] =	vst v63  }
0x20e: {  	s1 =	rddreg [dreg:$0xe]  }
0x20f: {  	[tilespmem:s15], [sflag:$0x4] =	stream.linear.gather [hbm4b:s1+s2], $0x3400, $0x38;
	[tilespmem:$0x1A000] =	vst v63  }
0x210: {  	_ =	swait.ge [sflag:s26], $0x3400  }
0x211: {  	[sflag:s26] =	ssyncset.done $0x0  }
0x212: {  	s1 =	rddreg [dreg:$0xf];
	[sflag:s26] =	ssyncadd.s32 $0xFFFFCC00  }
0x213: {  	[hbm4b:s1+s2] =	stream.linear.scatter [tilespmem:s21], [sflag:$0x9], $0x3400, $0x38;
	[tilespmem:$0x1A000] =	vst v63  }
0x214: {  	_ =	swait.ge [sflag:s25], $0x3400  }
0x215: {  	[sflag:s25] =	ssyncset.done $0x0  }
0x216: {  	[sflag:s25] =	ssyncadd.s32 $0xFFFFCC00  }
0x217: {  	_ =	swait.ge [sflag:s7], $0x3400  }
0x218: {  	[sflag:s7] =	ssyncset.done $0x0  }
0x219: {  	[sflag:s7] =	ssyncadd.s32 $0xFFFFCC00  }
0x21a: {  	[tilespmem:s8], [sflag:$0x8] =	stream.indirect.gather [hbm4b:s3+s10], $0x1, s15, s10, $0xb8;
	[tilespmem:$0x1A000] =	vst v63  }
0x21b: {  	s1 =	rddreg [dreg:$0x10]  }
0x21c: {  	[tilespmem:s2], [sflag:$0x1] =	stream.linear.gather [hbm4b:s1+s2], $0x3400, $0x38;
	[tilespmem:$0x1A000] =	vst v63  }
0x21d: {  	_ =	swait.ge [sflag:s19], $0x3400  }
0x21e: {  	[sflag:s19] =	ssyncset.done $0x0  }
0x21f: {  	s1 =	rddreg [dreg:$0x11];
	[sflag:s19] =	ssyncadd.s32 $0xFFFFCC00  }
0x220: {  	[hbm4b:s1+s2] =	stream.linear.scatter [tilespmem:s16], [sflag:$0xA], $0x3400, $0x38;
	[tilespmem:$0x1A000] =	vst v63  }
0x221: {  	_ =	swait.ge [sflag:s31], $0x3400  }
0x222: {  	[sflag:s31] =	ssyncset.done $0x0  }
0x223: {  	[sflag:s31] =	ssyncadd.s32 $0xFFFFCC00  }
0x224: {  	_ =	swait.ge [sflag:s13], $0x3400  }
0x225: {  	[sflag:s13] =	ssyncset.done $0x0  }
0x226: {  	[sflag:s13] =	ssyncadd.s32 $0xFFFFCC00  }
0x227: {  	[tilespmem:s21], [sflag:$0x5] =	stream.indirect.gather [hbm4b:s3+s10], $0x1, s2, s10, $0xb8;
	[tilespmem:$0x1A000] =	vst v63  }
0x228: {  	s1 =	rddreg [dreg:$0x12]  }
0x229: {  	[tilespmem:s10], [sflag:$0x2] =	stream.linear.gather [hbm4b:s1+s2], $0x3400, $0x38;
	[tilespmem:$0x1A000] =	vst v63  }
0x22a: {  	_ =	swait.ge [sflag:s20], $0x3400  }
0x22b: {  	[sflag:s20] =	ssyncset.done $0x0  }
0x22c: {  	s1 =	rddreg [dreg:$0x13];
	[sflag:s20] =	ssyncadd.s32 $0xFFFFCC00  }
0x22d: {  	[hbm4b:s1+s2] =	stream.linear.scatter [tilespmem:s11], [sflag:$0xB], $0x3400, $0x38;
	[tilespmem:$0x1A000] =	vst v63  }
0x22e: {  	_ =	swait.ge [sflag:s30], $0x3400  }
0x22f: {  	[sflag:s30] =	ssyncset.done $0x0  }
0x230: {  	[sflag:s30] =	ssyncadd.s32 $0xFFFFCC00  }
0x231: {  	_ =	swait.ge [sflag:s12], $0x3400  }
0x232: {  	[sflag:s12] =	ssyncset.done $0x0  }
0x233: {  	[sflag:s12] =	ssyncadd.s32 $0xFFFFCC00  }
0x234: {  	[tilespmem:s16], [sflag:$0x6] =	stream.indirect.gather [hbm4b:s3+s10], $0x1, s10, s10, $0xb8;
	[tilespmem:$0x1A000] =	vst v63  }
0x235: {  	s1 =	rddreg [dreg:$0x14]  }
0x236: {  	[tilespmem:s23], [sflag:$0x3] =	stream.linear.gather [hbm4b:s1+s2], $0x3400, $0x38;
	[tilespmem:$0x1A000] =	vst v63  }
0x237: {  	_ =	swait.ge [sflag:s18], $0x3400  }
0x238: {  	[sflag:s18] =	ssyncset.done $0x0  }
0x239: {  	s1 =	rddreg [dreg:$0x15];
	[sflag:s18] =	ssyncadd.s32 $0xFFFFCC00  }
0x23a: {  	[hbm4b:s1+s2] =	stream.linear.scatter [tilespmem:s8], [sflag:$0xC], $0x3400, $0x38;
	[tilespmem:$0x1A000] =	vst v63  }
0x23b: {  	_ =	swait.ge [sflag:s29], $0x3400  }
0x23c: {  	[sflag:s29] =	ssyncset.done $0x0  }
0x23d: {  	[sflag:s29] =	ssyncadd.s32 $0xFFFFCC00  }
0x23e: {  	_ =	swait.ge [sflag:s9], $0x3400  }
0x23f: {  	[sflag:s9] =	ssyncset.done $0x0  }
0x240: {  	[sflag:s9] =	ssyncadd.s32 $0xFFFFCC00  }
0x241: {  	[tilespmem:s11], [sflag:$0x7] =	stream.indirect.gather [hbm4b:s3+s10], $0x1, s23, s10, $0xb8;
	[tilespmem:$0x1A000] =	vst v63  }
0x242: {  	s1 =	rddreg [dreg:$0x16]  }
0x243: {  	[tilespmem:s15], [sflag:$0x4] =	stream.linear.gather [hbm4b:s1+s2], $0x3400, $0x38;
	[tilespmem:$0x1A000] =	vst v63  }
0x244: {  	_ =	swait.ge [sflag:s26], $0x3400  }
0x245: {  	[sflag:s26] =	ssyncset.done $0x0  }
0x246: {  	s1 =	rddreg [dreg:$0x17];
	[sflag:s26] =	ssyncadd.s32 $0xFFFFCC00  }
0x247: {  	[hbm4b:s1+s2] =	stream.linear.scatter [tilespmem:s21], [sflag:$0x9], $0x3400, $0x38;
	[tilespmem:$0x1A000] =	vst v63  }
0x248: {  	_ =	swait.ge [sflag:s25], $0x3400  }
0x249: {  	[sflag:s25] =	ssyncset.done $0x0  }
0x24a: {  	[sflag:s25] =	ssyncadd.s32 $0xFFFFCC00  }
0x24b: {  	_ =	swait.ge [sflag:s7], $0x3400  }
0x24c: {  	[sflag:s7] =	ssyncset.done $0x0  }
0x24d: {  	[sflag:s7] =	ssyncadd.s32 $0xFFFFCC00  }
0x24e: {  	[tilespmem:s8], [sflag:$0x8] =	stream.indirect.gather [hbm4b:s3+s10], $0x1, s15, s10, $0xb8;
	[tilespmem:$0x1A000] =	vst v63  }
0x24f: {  	s1 =	rddreg [dreg:$0x18]  }
0x250: {  	[tilespmem:s2], [sflag:$0x1] =	stream.linear.gather [hbm4b:s1+s2], $0x3400, $0x38;
	[tilespmem:$0x1A000] =	vst v63  }
0x251: {  	_ =	swait.ge [sflag:s19], $0x3400  }
0x252: {  	[sflag:s19] =	ssyncset.done $0x0  }
0x253: {  	s1 =	rddreg [dreg:$0x19];
	[sflag:s19] =	ssyncadd.s32 $0xFFFFCC00  }
0x254: {  	[hbm4b:s1+s2] =	stream.linear.scatter [tilespmem:s16], [sflag:$0xA], $0x3400, $0x38;
	[tilespmem:$0x1A000] =	vst v63  }
0x255: {  	_ =	swait.ge [sflag:s31], $0x3400  }
0x256: {  	[sflag:s31] =	ssyncset.done $0x0  }
0x257: {  	[sflag:s31] =	ssyncadd.s32 $0xFFFFCC00  }
0x258: {  	_ =	swait.ge [sflag:s13], $0x3400  }
0x259: {  	[sflag:s13] =	ssyncset.done $0x0  }
0x25a: {  	[sflag:s13] =	ssyncadd.s32 $0xFFFFCC00  }
0x25b: {  	[tilespmem:s21], [sflag:$0x5] =	stream.indirect.gather [hbm4b:s3+s10], $0x1, s2, s10, $0xb8;
	[tilespmem:$0x1A000] =	vst v63  }
0x25c: {  	s1 =	rddreg [dreg:$0x1a]  }
0x25d: {  	[tilespmem:s10], [sflag:$0x2] =	stream.linear.gather [hbm4b:s1+s2], $0x3400, $0x38;
	[tilespmem:$0x1A000] =	vst v63  }
0x25e: {  	_ =	swait.ge [sflag:s20], $0x3400  }
0x25f: {  	[sflag:s20] =	ssyncset.done $0x0  }
0x260: {  	[sflag:s20] =	ssyncadd.s32 $0xFFFFCC00  }
0x261: {  	[hbm4b:s28+s2] =	stream.linear.scatter [tilespmem:s11], [sflag:$0xB], $0x3400, $0x38;
	[tilespmem:$0x1A000] =	vst v63  }
0x262: {  	_ =	swait.ge [sflag:s30], $0x3400  }
0x263: {  	[sflag:s30] =	ssyncset.done $0x0  }
0x264: {  	[sflag:s30] =	ssyncadd.s32 $0xFFFFCC00  }
0x265: {  	_ =	swait.ge [sflag:s12], $0x3400  }
0x266: {  	[sflag:s12] =	ssyncset.done $0x0  }
0x267: {  	[sflag:s12] =	ssyncadd.s32 $0xFFFFCC00  }
0x268: {  	[tilespmem:s16], [sflag:$0x6] =	stream.indirect.gather [hbm4b:s3+s10], $0x1, s10, s10, $0xb8;
	[tilespmem:$0x1A000] =	vst v63  }
0x269: {  	_ = 	snop  }
0x26a: {  	[tilespmem:s23], [sflag:$0x3] =	stream.linear.gather [hbm4b:s24+s2], $0x3400, $0x38;
	[tilespmem:$0x1A000] =	vst v63  }
0x26b: {  	_ =	swait.ge [sflag:s18], $0x3400  }
0x26c: {  	[sflag:s18] =	ssyncset.done $0x0  }
0x26d: {  	[sflag:s18] =	ssyncadd.s32 $0xFFFFCC00  }
0x26e: {  	[hbm4b:s22+s2] =	stream.linear.scatter [tilespmem:s8], [sflag:$0xC], $0x3400, $0x38;
	[tilespmem:$0x1A000] =	vst v63  }
0x26f: {  	_ =	swait.ge [sflag:s29], $0x3400  }
0x270: {  	[sflag:s29] =	ssyncset.done $0x0  }
0x271: {  	[sflag:s29] =	ssyncadd.s32 $0xFFFFCC00  }
0x272: {  	_ =	swait.ge [sflag:s9], $0x3400  }
0x273: {  	[sflag:s9] =	ssyncset.done $0x0  }
0x274: {  	[sflag:s9] =	ssyncadd.s32 $0xFFFFCC00  }
0x275: {  	[tilespmem:s11], [sflag:$0x7] =	stream.indirect.gather [hbm4b:s3+s10], $0x1, s23, s10, $0xb8;
	[tilespmem:$0x1A000] =	vst v63  }
0x276: {  	_ = 	snop  }
0x277: {  	[tilespmem:s15], [sflag:$0x4] =	stream.linear.gather [hbm4b:s17+s2], $0x3400, $0x38;
	[tilespmem:$0x1A000] =	vst v63  }
0x278: {  	_ =	swait.ge [sflag:s26], $0x3400  }
0x279: {  	[sflag:s26] =	ssyncset.done $0x0  }
0x27a: {  	[sflag:s26] =	ssyncadd.s32 $0xFFFFCC00  }
0x27b: {  	[hbm4b:s14+s2] =	stream.linear.scatter [tilespmem:s21], [sflag:$0x9], $0x3400, $0x38;
	[tilespmem:$0x1A000] =	vst v63  }
0x27c: {  	_ =	swait.ge [sflag:s25], $0x3400  }
0x27d: {  	[sflag:s25] =	ssyncset.done $0x0  }
0x27e: {  	[sflag:s25] =	ssyncadd.s32 $0xFFFFCC00  }
0x27f: {  	_ =	swait.ge [sflag:s7], $0x3400  }
0x280: {  	[sflag:s7] =	ssyncset.done $0x0  }
0x281: {  	[sflag:s7] =	ssyncadd.s32 $0xFFFFCC00  }
0x282: {  	[tilespmem:s8], [sflag:$0x8] =	stream.indirect.gather [hbm4b:s3+s10], $0x1, s15, s10, $0xb8;
	[tilespmem:$0x1A000] =	vst v63  }
0x283: {  	_ =	swait.ge [sflag:s19], $0x3400  }
0x284: {  	[sflag:s19] =	ssyncset.done $0x0  }
0x285: {  	[sflag:s19] =	ssyncadd.s32 $0xFFFFCC00  }
0x286: {  	[hbm4b:s6+s2] =	stream.linear.scatter [tilespmem:s16], [sflag:$0xA], $0x3400, $0x38;
	[tilespmem:$0x1A000] =	vst v63  }
0x287: {  	_ =	swait.ge [sflag:s20], $0x3400  }
0x288: {  	[sflag:s20] =	ssyncset.done $0x0  }
0x289: {  	[sflag:s20] =	ssyncadd.s32 $0xFFFFCC00  }
0x28a: {  	[hbm4b:s5+s2] =	stream.linear.scatter [tilespmem:s11], [sflag:$0xB], $0x3400, $0x38;
	[tilespmem:$0x1A000] =	vst v63  }
0x28b: {  	_ =	swait.ge [sflag:s18], $0x3400  }
0x28c: {  	[sflag:s18] =	ssyncset.done $0x0  }
0x28d: {  	[sflag:s18] =	ssyncadd.s32 $0xFFFFCC00  }
0x28e: {  	[hbm4b:s4+s2] =	stream.linear.scatter [tilespmem:s8], [sflag:$0xC], $0x3400, $0x38;
	[tilespmem:$0x1A000] =	vst v63  }
0x28f: {  	_ =	swait.ge [sflag:s13], $0x3400  }
0x290: {  	[sflag:s13] =	ssyncset.done $0x0  }
0x291: {  	[sflag:s13] =	ssyncadd.s32 $0xFFFFCC00  }
0x292: {  	_ =	swait.ge [sflag:s12], $0x3400  }
0x293: {  	[sflag:s12] =	ssyncset.done $0x0  }
0x294: {  	[sflag:s12] =	ssyncadd.s32 $0xFFFFCC00  }
0x295: {  	_ =	swait.ge [sflag:s9], $0x3400  }
0x296: {  	[sflag:s9] =	ssyncset.done $0x0  }
0x297: {  	[sflag:s9] =	ssyncadd.s32 $0xFFFFCC00  }
0x298: {  	_ =	swait.ge [sflag:s7], $0x3400  }
0x299: {  	[sflag:s7] =	ssyncset.done $0x0  }
0x29a: {  	[sflag:s7] =	ssyncadd.s32 $0xFFFFCC00  }
0x29b: {  	_ =	sfence.sel $0x180000  }
0x29c: {  	[bflag:$0x0] =	sbarrier.arrive $0xFFFF  }
0x29d: {  	_ =	strace $0x90000047  }
0x29e: {  	s31 =	stileid.u32;
	[bflag:$0x2] =	sbarrier.arrive $0xFFFF  }
0x29f: {  	p0 =	sne.s32 s31, $0x0;
	s0 =	rddreg [dreg:$0x2]  }
0x2a0: {  	s0 =	sadd.s32 @!p0 $0x100000, s0  }
0x2a1: {  	[sflag:s0] =	ssyncadd.tile.s32 @!p0 $0x1;
	_ =	shalt  }
.Lfunc_end2:
_tile_overlayer_lowered:
.L_overlay_start_2:
0x2a2: {  	(tag) =	ssettag $0x2  }
0x2a3: {  	s0 =	rddreg [dreg:$0x0];
	s2 =	stileid.u32  }
0x2a4: {  	s1 =	rddreg [dreg:$0x1];
	p0 =	sne.s32 s2, $0x0  }
0x2a5: {  	s3 =	rddreg [dreg:$0x2];
	[bflag:$0x3] =	sbarrier.arrive $0xFFFF;
	s2 =	simm.s32 @!p0 $0x1C0D  }
0x2a6: {  	[timem:s3], [sflag:s2] =	dma.local @!p0 [hbm:s0], s1  }
0x2a7: {  	s0 =	simm.s32 @!p0 $0xD  }
0x2a8: {  	_ =	swait.ge @!p0 [sflag:s0], s1  }
0x2a9: {  	s1 =	ssub.s32 @!p0 $0x0, s1;
	[sflag:s0] =	ssyncset.done @!p0 $0x0  }
0x2aa: {  	[sflag:s0] =	ssyncadd.s32 @!p0 s1  }
0x2ab: {  	[bflag:$0x3] =	sbarrier.arrive $0xFFFF  }
0x2ac: {  	_ =	shalt  }

</sc_bundles>
